<compile_context>
chip_gen: v7x
topology: tpu7x:2x2x1
jax: 0.10.2.dev20260603
libtpu: 0.0.44.dev20260713+nightly
codegen_flags: <defaults>
</compile_context>

<pallas_src>
import functools

import jax
import jax.numpy as jnp
from jax import lax
from jax.experimental import pallas as pl
from jax.experimental.pallas import tpu as pltpu
from jax.experimental.pallas import tpu_sc as plsc

H = 1024
FF = 3584
E = 8
TOPK = 2
EPS = 1e-06
T = 2048
A = T * TOPK
BLK = 1024
BLKSH = 10
NBLK = A // BLK + E
P = NBLK * BLK
LANES = 128

NTILES = 32
TPT = T // NTILES
CH = 64
HW = H // 2


def _pack_bf16(lo_f32, hi_f32):
    lo = lax.bitcast_convert_type(
        lo_f32.astype(jnp.bfloat16).astype(jnp.float32), jnp.int32)
    hi = lax.bitcast_convert_type(
        hi_f32.astype(jnp.bfloat16).astype(jnp.float32), jnp.int32)
    return (hi & jnp.int32(-65536)) | lax.shift_right_logical(lo, 16)


def _unpack_bf16(p_i32):
    lo = lax.bitcast_convert_type(lax.shift_left(p_i32, 16), jnp.float32)
    hi = lax.bitcast_convert_type(p_i32 & jnp.int32(-65536), jnp.float32)
    return lo, hi


def _routing_kernel(hs_ref, rmsw_ref, gw_ref, hsn_ref, pos_ref, tw_ref,
                    blk_ref):
    x = hs_ref[...]
    var = jnp.mean(x * x, axis=1, keepdims=True)
    xn = x * lax.rsqrt(var + EPS) * rmsw_ref[...]
    hsn_ref[...] = _pack_bf16(xn[:, :HW], xn[:, HW:])

    logits = jnp.dot(xn, gw_ref[...], preferred_element_type=jnp.float32)
    lane = lax.broadcasted_iota(jnp.int32, (T, LANES), 1)
    valid = lane < E
    logits = jnp.where(valid, logits, -1e30)
    m = jnp.max(logits, axis=1, keepdims=True)
    p = jnp.where(valid, jnp.exp(logits - m), 0.0)
    sc = p / jnp.sum(p, axis=1, keepdims=True)

    m1 = jnp.max(sc, axis=1, keepdims=True)
    i1 = jnp.min(jnp.where((sc == m1) & valid, lane, LANES), axis=1,
                 keepdims=True)
    oh1 = lane == i1
    sc2 = jnp.where(oh1, -1.0, sc)
    m2 = jnp.max(sc2, axis=1, keepdims=True)
    i2 = jnp.min(jnp.where((sc2 == m2) & valid, lane, LANES), axis=1,
                 keepdims=True)
    oh2 = lane == i2
    ssum = m1 + m2
    tw_ref[...] = jnp.where(lane == 0, m1 / ssum,
                            jnp.where(lane == 1, m2 / ssum, 0.0))

    oh = (oh1 | oh2).astype(jnp.int32)
    c = oh
    d = 1
    while d < T:
        c = c + jnp.concatenate(
            [jnp.zeros((d, LANES), jnp.int32), c[:T - d]], axis=0)
        d *= 2
    cex = c - oh
    counts = c[T - 1:T, :]

    nb = jnp.where(lane[0:1, :] < E,
                   jnp.right_shift(counts + (BLK - 1), BLKSH), 0)
    row = lax.broadcasted_iota(jnp.int32, (LANES, LANES), 0)
    col = lax.broadcasted_iota(jnp.int32, (LANES, LANES), 1)
    tri = (row < col).astype(jnp.float32)
    nb8 = jnp.broadcast_to(nb.astype(jnp.float32), (8, LANES))
    blk_base = jnp.dot(nb8, tri, preferred_element_type=jnp.float32)
    pad_base = (blk_base[0:1, :] * BLK).astype(jnp.int32)

    rank1 = jnp.sum(jnp.where(oh1, cex, 0), axis=1, keepdims=True)
    rank2 = jnp.sum(jnp.where(oh2, cex, 0), axis=1, keepdims=True)
    base1 = jnp.sum(jnp.where(oh1, pad_base, 0), axis=1, keepdims=True)
    base2 = jnp.sum(jnp.where(oh2, pad_base, 0), axis=1, keepdims=True)
    pos_ref[...] = jnp.where(lane == 0, base1 + rank1,
                             jnp.where(lane == 1, base2 + rank2, 0))

    lane_row = lane[0:1, :]
    nbi = nb.astype(jnp.int32)
    total = jnp.sum(nbi, axis=1, keepdims=True)
    owner = jnp.zeros((1, LANES), jnp.int32)
    for e in range(E):
        base_e = jnp.sum(jnp.where(lane_row == e, pad_base, 0), axis=1,
                         keepdims=True)
        owner = owner + (base_e <= lane_row * BLK).astype(jnp.int32)
    owner = owner - 1
    actv = (lane_row < total).astype(jnp.int32)
    e_last = jnp.sum(jnp.where(lane_row == total - 1, owner, 0), axis=1,
                     keepdims=True)
    blk_e = jnp.where(actv == 1, owner, e_last)
    obk = jnp.where(actv == 1, lane_row, total - 1)
    rows8 = lax.broadcasted_iota(jnp.int32, (8, LANES), 0)
    blk_ref[...] = jnp.where(rows8 == 0, blk_e,
                             jnp.where(rows8 == 1, actv, obk))


def _routing(hs, rms_weight, gate_w_pad):
    return pl.pallas_call(
        _routing_kernel,
        out_shape=(
            jax.ShapeDtypeStruct((T, HW), jnp.int32),
            jax.ShapeDtypeStruct((T, LANES), jnp.int32),
            jax.ShapeDtypeStruct((T, LANES), jnp.float32),
            jax.ShapeDtypeStruct((8, LANES), jnp.int32),
        ),
    )(hs, rms_weight, gate_w_pad)


def _sc_scatter_body(hsn, pos, xpad, rows_v, p0_v, p1_v, semr, sems):
    wid = lax.axis_index("s") * 2 + lax.axis_index("c")
    t0 = wid * TPT
    r0 = pltpu.async_copy(hsn.at[pl.ds(t0, CH)], rows_v, semr)
    pltpu.sync_copy(pos.at[0, pl.ds(t0, CH)], p0_v)
    pltpu.sync_copy(pos.at[1, pl.ds(t0, CH)], p1_v)
    r0.wait()
    s0 = pltpu.async_copy(rows_v, xpad.at[p0_v], sems)
    s1 = pltpu.async_copy(rows_v, xpad.at[p1_v], sems)
    s0.wait()
    s1.wait()


def _scatter_sc(hsn, pos_slots):
    mesh = plsc.VectorSubcoreMesh(core_axis_name="c", subcore_axis_name="s")
    f = functools.partial(
        pl.kernel,
        mesh=mesh,
        out_type=jax.ShapeDtypeStruct((P, HW), jnp.int32),
        scratch_types=[
            pltpu.VMEM((CH, HW), jnp.int32),
            pltpu.VMEM((CH,), jnp.int32),
            pltpu.VMEM((CH,), jnp.int32),
            pltpu.SemaphoreType.DMA,
            pltpu.SemaphoreType.DMA,
        ],
    )(_sc_scatter_body)
    return f(hsn, pos_slots)


FT = 7
FFT = FF // FT


def _ffn_kernel(be_ref, act_ref, ob_ref, x_ref, w1_ref, w3_ref, w2_ref,
                o_ref, xb_ref, acc_ref):
    b = pl.program_id(0)
    f = pl.program_id(1)

    @pl.when(act_ref[b] == 1)
    def _():
        @pl.when(f == 0)
        def _():
            lo, hi = _unpack_bf16(x_ref[...])
            xb_ref[...] = jnp.concatenate(
                [lo, hi], axis=1).astype(jnp.bfloat16)

        xb = xb_ref[...]
        h1 = jnp.dot(xb, w1_ref[0].astype(jnp.bfloat16),
                     preferred_element_type=jnp.float32)
        h3 = jnp.dot(xb, w3_ref[0].astype(jnp.bfloat16),
                     preferred_element_type=jnp.float32)
        a = ((h1 * lax.logistic(h1)) * h3).astype(jnp.bfloat16)
        part = jnp.dot(a, w2_ref[0].astype(jnp.bfloat16),
                       preferred_element_type=jnp.float32)

        @pl.when(f == 0)
        def _():
            acc_ref[...] = part

        @pl.when((f > 0) & (f < FT - 1))
        def _():
            acc_ref[...] = acc_ref[...] + part

        @pl.when(f == FT - 1)
        def _():
            out = acc_ref[...] + part
            o_ref[...] = _pack_bf16(out[:, :HW], out[:, HW:])


def _ffn_grouped(blk_e, blk_act, blk_ob, x_pad, w1, w3, w2):
    def feff(b, f, act):
        return jnp.where(act[b] == 1, f, FT - 1)

    return pl.pallas_call(
        _ffn_kernel,
        grid_spec=pltpu.PrefetchScalarGridSpec(
            num_scalar_prefetch=3,
            grid=(NBLK, FT),
            in_specs=[
                pl.BlockSpec(
                    (BLK, HW),
                    lambda b, f, be, act, ob: (
                        jnp.where(act[b] == 1, b, 0), 0)),
                pl.BlockSpec(
                    (1, H, FFT),
                    lambda b, f, be, act, ob: (be[b], 0, feff(b, f, act))),
                pl.BlockSpec(
                    (1, H, FFT),
                    lambda b, f, be, act, ob: (be[b], 0, feff(b, f, act))),
                pl.BlockSpec(
                    (1, FFT, H),
                    lambda b, f, be, act, ob: (be[b], feff(b, f, act), 0)),
            ],
            out_specs=pl.BlockSpec(
                (BLK, HW), lambda b, f, be, act, ob: (ob[b], 0)),
            scratch_shapes=[
                pltpu.VMEM((BLK, H), jnp.bfloat16),
                pltpu.VMEM((BLK, H), jnp.float32),
            ],
        ),
        out_shape=jax.ShapeDtypeStruct((P, HW), jnp.int32),
    )(blk_e, blk_act, blk_ob, x_pad, w1, w3, w2)


def _sc_gather_body(outpad, pos, gat, rows0_v, rows1_v, p0_v, p1_v, semg,
                    semw):
    wid = lax.axis_index("s") * 2 + lax.axis_index("c")
    tbase = wid * TPT
    pltpu.sync_copy(pos.at[0, pl.ds(tbase, CH)], p0_v)
    pltpu.sync_copy(pos.at[1, pl.ds(tbase, CH)], p1_v)
    g0 = pltpu.async_copy(outpad.at[p0_v], rows0_v, semg)
    g1 = pltpu.async_copy(outpad.at[p1_v], rows1_v, semg)
    g0.wait()
    w0 = pltpu.async_copy(rows0_v, gat.at[0, pl.ds(tbase, CH)], semw)
    g1.wait()
    w1 = pltpu.async_copy(rows1_v, gat.at[1, pl.ds(tbase, CH)], semw)
    w0.wait()
    w1.wait()


def _gather_sc(out_pad, pos_slots):
    mesh = plsc.VectorSubcoreMesh(core_axis_name="c", subcore_axis_name="s")
    f = functools.partial(
        pl.kernel,
        mesh=mesh,
        out_type=jax.ShapeDtypeStruct((TOPK, T, HW), jnp.int32),
        scratch_types=[
            pltpu.VMEM((CH, HW), jnp.int32),
            pltpu.VMEM((CH, HW), jnp.int32),
            pltpu.VMEM((CH,), jnp.int32),
            pltpu.VMEM((CH,), jnp.int32),
            pltpu.SemaphoreType.DMA,
            pltpu.SemaphoreType.DMA,
        ],
    )(_sc_gather_body)
    return f(out_pad, pos_slots)


def _combine_kernel(inp_ref, g_ref, tw_ref, o_ref):
    tw0 = tw_ref[:, 0:1]
    tw1 = tw_ref[:, 1:2]
    lo0, hi0 = _unpack_bf16(g_ref[0])
    lo1, hi1 = _unpack_bf16(g_ref[1])
    g0 = jnp.concatenate([lo0, hi0], axis=1)
    g1 = jnp.concatenate([lo1, hi1], axis=1)
    o_ref[...] = inp_ref[...] + tw0 * g0 + tw1 * g1


def _combine(inp, gathered, tw):
    nb = 8
    tb = T // nb
    return pl.pallas_call(
        _combine_kernel,
        grid=(nb,),
        in_specs=[
            pl.BlockSpec((tb, H), lambda i: (i, 0)),
            pl.BlockSpec((TOPK, tb, HW), lambda i: (0, i, 0)),
            pl.BlockSpec((tb, LANES), lambda i: (i, 0)),
        ],
        out_specs=pl.BlockSpec((tb, H), lambda i: (i, 0)),
        out_shape=jax.ShapeDtypeStruct((T, H), jnp.float32),
    )(inp, gathered, tw)


def kernel(hidden_states, rms_weight, gate_w, w1, w2, w3):
    b, s, h = hidden_states.shape
    hs = hidden_states.reshape(T, H)
    rmsw = rms_weight.reshape(1, H)
    gwp = jnp.pad(gate_w, ((0, 0), (0, LANES - E)))

    hsn, pos128, tw128, blk = _routing(hs, rmsw, gwp)
    pos_slots = jnp.transpose(pos128[:, :TOPK]).astype(jnp.int32)
    blk_e = blk[0, :NBLK]
    act = blk[1, :NBLK]
    blk_ob = blk[2, :NBLK]

    x_pad = _scatter_sc(hsn, pos_slots)
    out_pad = _ffn_grouped(blk_e, act, blk_ob, x_pad, w1, w3, w2)
    gathered = _gather_sc(out_pad, pos_slots)
    final = _combine(hs, gathered, tw128)
    return final.reshape(b, s, h)

# --- scband reference (transcript-rebuilt; emitter-appended) ---
"""Pipeline reference for scband-mixtral-sparse-mo-e-42949672960149 (READ-ONLY COPY).

The authoritative reference and input builder live on the scoring server;
editing this copy changes nothing except your own understanding.
"""

import jax, jax.numpy as jnp
import numpy as np

HIDDEN = 1024
FF = 3584
E = 8
TOPK = 2
EPS = 1e-06
B = 1
S = 2048


def setup_inputs(seed: int = 0) -> dict:
    key = jax.random.key(seed)
    ks = jax.random.split(key, 6)
    hidden_states = jax.random.normal(ks[0], (B, S, HIDDEN), dtype=jnp.float32)
    rms_weight = jnp.ones((HIDDEN,), dtype=jnp.float32)
    gate_w = jax.random.normal(ks[1], (HIDDEN, E), dtype=jnp.float32) * 0.02
    w1 = jax.random.normal(ks[2], (E, HIDDEN, FF), dtype=jnp.float32) * 0.02
    w2 = jax.random.normal(ks[3], (E, FF, HIDDEN), dtype=jnp.float32) * 0.02
    w3 = jax.random.normal(ks[4], (E, HIDDEN, FF), dtype=jnp.float32) * 0.02
    return {"hidden_states": hidden_states, "rms_weight": rms_weight, "gate_w": gate_w, "w1": w1, "w2": w2, "w3": w3}


def reference(hidden_states, rms_weight, gate_w, w1, w2, w3):
    inp = hidden_states
    # RMSNorm (post_attention_layernorm)
    h32 = inp.astype(jnp.float32)
    variance = jnp.mean(h32 * h32, axis=-1, keepdims=True)
    hs = h32 * jax.lax.rsqrt(variance + EPS)
    hs = rms_weight * hs.astype(inp.dtype)
    # Router
    router_logits = hs @ gate_w
    scores = jax.nn.softmax(router_logits.astype(jnp.float32), axis=-1)
    top_w, top_i = jax.lax.top_k(scores, TOPK)
    top_w = top_w / jnp.sum(top_w, axis=-1, keepdims=True)
    top_w = top_w.astype(hs.dtype)
    b, s, h = hs.shape
    hs_flat = hs.reshape(-1, h)
    tw = top_w.reshape(-1, TOPK)
    ti = top_i.reshape(-1, TOPK)
    # per-token per-expert combine weight (zero for non-routed experts):
    # identical math to torch masked accumulation
    cw = jnp.sum(jax.nn.one_hot(ti, E, dtype=hs.dtype) * tw[:, :, None], axis=1)  # [T, E]
    final = jnp.zeros_like(hs_flat)
    for e in range(E):
        a = jax.nn.silu(hs_flat @ w1[e]) * (hs_flat @ w3[e])
        out_e = a @ w2[e]
        final = final + cw[:, e:e + 1] * out_e
    return inp + final.reshape(b, s, h)

if __name__ == "__main__":
    import jax
    _d = setup_inputs()
    print(jax.jit(kernel)(*tuple(_d.values())))

</pallas_src>

<mosaic_0001>
#map = affine_map<(d0, d1) -> (0, 0)>
module attributes {stable_mosaic.version = 14 : i64} {
  func.func @_sc_scatter_body(%arg0: i32, %arg1: i32, %arg2: memref<2048x512xi32, #tpu.memory_space<hbm>>, %arg3: memref<2x2048xi32, #tpu.memory_space<hbm>>, %arg4: memref<12288x512xi32, #tpu.memory_space<hbm>>, %arg5: memref<64x512xi32, #tpu.memory_space<vmem>>, %arg6: memref<64xi32, #tpu.memory_space<vmem>>, %arg7: memref<64xi32, #tpu.memory_space<vmem>>, %arg8: memref<!tpu.dma_semaphore, #tpu.memory_space<semaphore_mem>>, %arg9: memref<!tpu.dma_semaphore, #tpu.memory_space<semaphore_mem>>) attributes {dimension_semantics = [#tpu.dimension_semantics<core_parallel>, #tpu.dimension_semantics<subcore_parallel>], iteration_bounds = array<i64: 2, 16>, scalar_prefetch = 0 : i64, scratch_operands = 5 : i64, tpu.core_type = #tpu.core_type<sc_vector_subcore>, window_params = [{transform_indices = #map}, {transform_indices = #map}, {transform_indices = #map}]} {
    %mul3A = arith.constant 2 : i32
    %mul3A_0 = arith.muli %arg1, %mul3A : i32
    %add3A = arith.addi %mul3A_0, %arg0 : i32
    %mul3A_1 = arith.constant 64 : i32
    %mul3A_2 = arith.muli %add3A, %mul3A_1 : i32
    %dma_start3A = arith.constant 0 : i32
    %dma_start3A_3 = tpu.memref_slice %arg2[%mul3A_2, %dma_start3A] : memref<2048x512xi32, #tpu.memory_space<hbm>> -> memref<64x512xi32, #tpu.memory_space<hbm>>
    %dma_start3A_4 = arith.constant 0 : i32
    %dma_start3A_5 = tpu.memref_slice %arg2[%mul3A_2, %dma_start3A_4] : memref<2048x512xi32, #tpu.memory_space<hbm>> -> memref<64x512xi32, #tpu.memory_space<hbm>>
    tpu.enqueue_dma source(%dma_start3A_5 : memref<64x512xi32, #tpu.memory_space<hbm>>) target(%arg5 : memref<64x512xi32, #tpu.memory_space<vmem>>) target_semaphore(%arg8 : memref<!tpu.dma_semaphore, #tpu.memory_space<semaphore_mem>>)
    %run_scoped3A = arith.constant 0 : i32
    "tpu.region"() ({
      %run_scoped3A_22 = tpu.sem_alloc : memref<!tpu.dma_semaphore, #tpu.memory_space<semaphore_mem>>
      %dma_start3A_23 = tpu.memref_slice %arg3[%run_scoped3A, %mul3A_2] : memref<2x2048xi32, #tpu.memory_space<hbm>> -> memref<1x64xi32, #tpu.memory_space<hbm>>
      %dma_start3A_24 = tpu.memref_squeeze %dma_start3A_23 : memref<1x64xi32, #tpu.memory_space<hbm>> -> memref<64xi32, #tpu.memory_space<hbm>>
      %dma_start3A_25 = tpu.memref_slice %arg3[%run_scoped3A, %mul3A_2] : memref<2x2048xi32, #tpu.memory_space<hbm>> -> memref<1x64xi32, #tpu.memory_space<hbm>>
      %dma_start3A_26 = tpu.memref_squeeze %dma_start3A_25 : memref<1x64xi32, #tpu.memory_space<hbm>> -> memref<64xi32, #tpu.memory_space<hbm>>
      tpu.enqueue_dma source(%dma_start3A_26 : memref<64xi32, #tpu.memory_space<hbm>>) target(%arg6 : memref<64xi32, #tpu.memory_space<vmem>>) target_semaphore(%run_scoped3A_22 : memref<!tpu.dma_semaphore, #tpu.memory_space<semaphore_mem>>)
      %dma_wait3A_27 = tpu.memref_slice %arg3[%run_scoped3A, %mul3A_2] : memref<2x2048xi32, #tpu.memory_space<hbm>> -> memref<1x64xi32, #tpu.memory_space<hbm>>
      %dma_wait3A_28 = tpu.memref_squeeze %dma_wait3A_27 : memref<1x64xi32, #tpu.memory_space<hbm>> -> memref<64xi32, #tpu.memory_space<hbm>>
      %dma_wait3A_29 = tpu.memref_slice %arg3[%run_scoped3A, %mul3A_2] : memref<2x2048xi32, #tpu.memory_space<hbm>> -> memref<1x64xi32, #tpu.memory_space<hbm>>
      %dma_wait3A_30 = tpu.memref_squeeze %dma_wait3A_29 : memref<1x64xi32, #tpu.memory_space<hbm>> -> memref<64xi32, #tpu.memory_space<hbm>>
      tpu.wait_dma2 semaphore(%run_scoped3A_22 : memref<!tpu.dma_semaphore, #tpu.memory_space<semaphore_mem>>) src(%dma_wait3A_30 : memref<64xi32, #tpu.memory_space<hbm>>) dst(%arg6 : memref<64xi32, #tpu.memory_space<vmem>>)
      tpu.yield
    }) : () -> ()
    %run_scoped3A_6 = arith.constant 1 : i32
    "tpu.region"() ({
      %run_scoped3A_22 = tpu.sem_alloc : memref<!tpu.dma_semaphore, #tpu.memory_space<semaphore_mem>>
      %dma_start3A_23 = tpu.memref_slice %arg3[%run_scoped3A_6, %mul3A_2] : memref<2x2048xi32, #tpu.memory_space<hbm>> -> memref<1x64xi32, #tpu.memory_space<hbm>>
      %dma_start3A_24 = tpu.memref_squeeze %dma_start3A_23 : memref<1x64xi32, #tpu.memory_space<hbm>> -> memref<64xi32, #tpu.memory_space<hbm>>
      %dma_start3A_25 = tpu.memref_slice %arg3[%run_scoped3A_6, %mul3A_2] : memref<2x2048xi32, #tpu.memory_space<hbm>> -> memref<1x64xi32, #tpu.memory_space<hbm>>
      %dma_start3A_26 = tpu.memref_squeeze %dma_start3A_25 : memref<1x64xi32, #tpu.memory_space<hbm>> -> memref<64xi32, #tpu.memory_space<hbm>>
      tpu.enqueue_dma source(%dma_start3A_26 : memref<64xi32, #tpu.memory_space<hbm>>) target(%arg7 : memref<64xi32, #tpu.memory_space<vmem>>) target_semaphore(%run_scoped3A_22 : memref<!tpu.dma_semaphore, #tpu.memory_space<semaphore_mem>>)
      %dma_wait3A_27 = tpu.memref_slice %arg3[%run_scoped3A_6, %mul3A_2] : memref<2x2048xi32, #tpu.memory_space<hbm>> -> memref<1x64xi32, #tpu.memory_space<hbm>>
      %dma_wait3A_28 = tpu.memref_squeeze %dma_wait3A_27 : memref<1x64xi32, #tpu.memory_space<hbm>> -> memref<64xi32, #tpu.memory_space<hbm>>
      %dma_wait3A_29 = tpu.memref_slice %arg3[%run_scoped3A_6, %mul3A_2] : memref<2x2048xi32, #tpu.memory_space<hbm>> -> memref<1x64xi32, #tpu.memory_space<hbm>>
      %dma_wait3A_30 = tpu.memref_squeeze %dma_wait3A_29 : memref<1x64xi32, #tpu.memory_space<hbm>> -> memref<64xi32, #tpu.memory_space<hbm>>
      tpu.wait_dma2 semaphore(%run_scoped3A_22 : memref<!tpu.dma_semaphore, #tpu.memory_space<semaphore_mem>>) src(%dma_wait3A_30 : memref<64xi32, #tpu.memory_space<hbm>>) dst(%arg7 : memref<64xi32, #tpu.memory_space<vmem>>)
      tpu.yield
    }) : () -> ()
    %dma_wait3A = arith.constant 0 : i32
    %dma_wait3A_7 = tpu.memref_slice %arg2[%mul3A_2, %dma_wait3A] : memref<2048x512xi32, #tpu.memory_space<hbm>> -> memref<64x512xi32, #tpu.memory_space<hbm>>
    %dma_wait3A_8 = arith.constant 0 : i32
    %dma_wait3A_9 = tpu.memref_slice %arg2[%mul3A_2, %dma_wait3A_8] : memref<2048x512xi32, #tpu.memory_space<hbm>> -> memref<64x512xi32, #tpu.memory_space<hbm>>
    tpu.wait_dma2 semaphore(%arg8 : memref<!tpu.dma_semaphore, #tpu.memory_space<semaphore_mem>>) src(%dma_wait3A_9 : memref<64x512xi32, #tpu.memory_space<hbm>>) dst(%arg5 : memref<64x512xi32, #tpu.memory_space<vmem>>)
    %dma_start3A_10 = arith.constant 0 : i32
    %dma_start3A_11 = arith.constant 0 : i32
    %dma_start3A_12 = tpu.memref_slice %arg4[%dma_start3A_10, %dma_start3A_11] : memref<12288x512xi32, #tpu.memory_space<hbm>> -> memref<12288x512xi32, #tpu.memory_space<hbm>>
    tpu.enqueue_indirect_dma source(%arg5 : memref<64x512xi32, #tpu.memory_space<vmem>>) target(%dma_start3A_12 : memref<12288x512xi32, #tpu.memory_space<hbm>>) offsets(%arg6 : memref<64xi32, #tpu.memory_space<vmem>>) semaphore(%arg9 : memref<!tpu.dma_semaphore, #tpu.memory_space<semaphore_mem>>)
    %dma_start3A_13 = arith.constant 0 : i32
    %dma_start3A_14 = arith.constant 0 : i32
    %dma_start3A_15 = tpu.memref_slice %arg4[%dma_start3A_13, %dma_start3A_14] : memref<12288x512xi32, #tpu.memory_space<hbm>> -> memref<12288x512xi32, #tpu.memory_space<hbm>>
    tpu.enqueue_indirect_dma source(%arg5 : memref<64x512xi32, #tpu.memory_space<vmem>>) target(%dma_start3A_15 : memref<12288x512xi32, #tpu.memory_space<hbm>>) offsets(%arg7 : memref<64xi32, #tpu.memory_space<vmem>>) semaphore(%arg9 : memref<!tpu.dma_semaphore, #tpu.memory_space<semaphore_mem>>)
    %dma_wait3A_16 = arith.constant 0 : i32
    %dma_wait3A_17 = arith.constant 0 : i32
    %dma_wait3A_18 = tpu.memref_slice %arg4[%dma_wait3A_16, %dma_wait3A_17] : memref<12288x512xi32, #tpu.memory_space<hbm>> -> memref<12288x512xi32, #tpu.memory_space<hbm>>
    tpu.wait_indirect_dma semaphore(%arg9 : memref<!tpu.dma_semaphore, #tpu.memory_space<semaphore_mem>>) src(%arg5 : memref<64x512xi32, #tpu.memory_space<vmem>>) dst(%dma_wait3A_18 : memref<12288x512xi32, #tpu.memory_space<hbm>>)
    %dma_wait3A_19 = arith.constant 0 : i32
    %dma_wait3A_20 = arith.constant 0 : i32
    %dma_wait3A_21 = tpu.memref_slice %arg4[%dma_wait3A_19, %dma_wait3A_20] : memref<12288x512xi32, #tpu.memory_space<hbm>> -> memref<12288x512xi32, #tpu.memory_space<hbm>>
    tpu.wait_indirect_dma semaphore(%arg9 : memref<!tpu.dma_semaphore, #tpu.memory_space<semaphore_mem>>) src(%arg5 : memref<64x512xi32, #tpu.memory_space<vmem>>) dst(%dma_wait3A_21 : memref<12288x512xi32, #tpu.memory_space<hbm>>)
    return
  }
}

#map = affine_map<(d0, d1) -> (0, 0)>
#map1 = affine_map<(d0, d1) -> (0, 0, 0)>
module attributes {stable_mosaic.version = 14 : i64} {
  func.func @_sc_gather_body(%arg0: i32, %arg1: i32, %arg2: memref<12288x512xi32, #tpu.memory_space<hbm>>, %arg3: memref<2x2048xi32, #tpu.memory_space<hbm>>, %arg4: memref<2x2048x512xi32, #tpu.memory_space<hbm>>, %arg5: memref<64x512xi32, #tpu.memory_space<vmem>>, %arg6: memref<64x512xi32, #tpu.memory_space<vmem>>, %arg7: memref<64xi32, #tpu.memory_space<vmem>>, %arg8: memref<64xi32, #tpu.memory_space<vmem>>, %arg9: memref<!tpu.dma_semaphore, #tpu.memory_space<semaphore_mem>>, %arg10: memref<!tpu.dma_semaphore, #tpu.memory_space<semaphore_mem>>) attributes {dimension_semantics = [#tpu.dimension_semantics<core_parallel>, #tpu.dimension_semantics<subcore_parallel>], iteration_bounds = array<i64: 2, 16>, scalar_prefetch = 0 : i64, scratch_operands = 6 : i64, tpu.core_type = #tpu.core_type<sc_vector_subcore>, window_params = [{transform_indices = #map}, {transform_indices = #map}, {transform_indices = #map1}]} {
    %mul3A = arith.constant 2 : i32
    %mul3A_0 = arith.muli %arg1, %mul3A : i32
    %add3A = arith.addi %mul3A_0, %arg0 : i32
    %mul3A_1 = arith.constant 64 : i32
    %mul3A_2 = arith.muli %add3A, %mul3A_1 : i32
    %run_scoped3A = arith.constant 0 : i32
    "tpu.region"() ({
      %run_scoped3A_42 = tpu.sem_alloc : memref<!tpu.dma_semaphore, #tpu.memory_space<semaphore_mem>>
      %dma_start3A_43 = tpu.memref_slice %arg3[%run_scoped3A, %mul3A_2] : memref<2x2048xi32, #tpu.memory_space<hbm>> -> memref<1x64xi32, #tpu.memory_space<hbm>>
      %dma_start3A_44 = tpu.memref_squeeze %dma_start3A_43 : memref<1x64xi32, #tpu.memory_space<hbm>> -> memref<64xi32, #tpu.memory_space<hbm>>
      %dma_start3A_45 = tpu.memref_slice %arg3[%run_scoped3A, %mul3A_2] : memref<2x2048xi32, #tpu.memory_space<hbm>> -> memref<1x64xi32, #tpu.memory_space<hbm>>
      %dma_start3A_46 = tpu.memref_squeeze %dma_start3A_45 : memref<1x64xi32, #tpu.memory_space<hbm>> -> memref<64xi32, #tpu.memory_space<hbm>>
      tpu.enqueue_dma source(%dma_start3A_46 : memref<64xi32, #tpu.memory_space<hbm>>) target(%arg7 : memref<64xi32, #tpu.memory_space<vmem>>) target_semaphore(%run_scoped3A_42 : memref<!tpu.dma_semaphore, #tpu.memory_space<semaphore_mem>>)
      %dma_wait3A_47 = tpu.memref_slice %arg3[%run_scoped3A, %mul3A_2] : memref<2x2048xi32, #tpu.memory_space<hbm>> -> memref<1x64xi32, #tpu.memory_space<hbm>>
      %dma_wait3A_48 = tpu.memref_squeeze %dma_wait3A_47 : memref<1x64xi32, #tpu.memory_space<hbm>> -> memref<64xi32, #tpu.memory_space<hbm>>
      %dma_wait3A_49 = tpu.memref_slice %arg3[%run_scoped3A, %mul3A_2] : memref<2x2048xi32, #tpu.memory_space<hbm>> -> memref<1x64xi32, #tpu.memory_space<hbm>>
      %dma_wait3A_50 = tpu.memref_squeeze %dma_wait3A_49 : memref<1x64xi32, #tpu.memory_space<hbm>> -> memref<64xi32, #tpu.memory_space<hbm>>
      tpu.wait_dma2 semaphore(%run_scoped3A_42 : memref<!tpu.dma_semaphore, #tpu.memory_space<semaphore_mem>>) src(%dma_wait3A_50 : memref<64xi32, #tpu.memory_space<hbm>>) dst(%arg7 : memref<64xi32, #tpu.memory_space<vmem>>)
      tpu.yield
    }) : () -> ()
    %run_scoped3A_3 = arith.constant 1 : i32
    "tpu.region"() ({
      %run_scoped3A_42 = tpu.sem_alloc : memref<!tpu.dma_semaphore, #tpu.memory_space<semaphore_mem>>
      %dma_start3A_43 = tpu.memref_slice %arg3[%run_scoped3A_3, %mul3A_2] : memref<2x2048xi32, #tpu.memory_space<hbm>> -> memref<1x64xi32, #tpu.memory_space<hbm>>
      %dma_start3A_44 = tpu.memref_squeeze %dma_start3A_43 : memref<1x64xi32, #tpu.memory_space<hbm>> -> memref<64xi32, #tpu.memory_space<hbm>>
      %dma_start3A_45 = tpu.memref_slice %arg3[%run_scoped3A_3, %mul3A_2] : memref<2x2048xi32, #tpu.memory_space<hbm>> -> memref<1x64xi32, #tpu.memory_space<hbm>>
      %dma_start3A_46 = tpu.memref_squeeze %dma_start3A_45 : memref<1x64xi32, #tpu.memory_space<hbm>> -> memref<64xi32, #tpu.memory_space<hbm>>
      tpu.enqueue_dma source(%dma_start3A_46 : memref<64xi32, #tpu.memory_space<hbm>>) target(%arg8 : memref<64xi32, #tpu.memory_space<vmem>>) target_semaphore(%run_scoped3A_42 : memref<!tpu.dma_semaphore, #tpu.memory_space<semaphore_mem>>)
      %dma_wait3A_47 = tpu.memref_slice %arg3[%run_scoped3A_3, %mul3A_2] : memref<2x2048xi32, #tpu.memory_space<hbm>> -> memref<1x64xi32, #tpu.memory_space<hbm>>
      %dma_wait3A_48 = tpu.memref_squeeze %dma_wait3A_47 : memref<1x64xi32, #tpu.memory_space<hbm>> -> memref<64xi32, #tpu.memory_space<hbm>>
      %dma_wait3A_49 = tpu.memref_slice %arg3[%run_scoped3A_3, %mul3A_2] : memref<2x2048xi32, #tpu.memory_space<hbm>> -> memref<1x64xi32, #tpu.memory_space<hbm>>
      %dma_wait3A_50 = tpu.memref_squeeze %dma_wait3A_49 : memref<1x64xi32, #tpu.memory_space<hbm>> -> memref<64xi32, #tpu.memory_space<hbm>>
      tpu.wait_dma2 semaphore(%run_scoped3A_42 : memref<!tpu.dma_semaphore, #tpu.memory_space<semaphore_mem>>) src(%dma_wait3A_50 : memref<64xi32, #tpu.memory_space<hbm>>) dst(%arg8 : memref<64xi32, #tpu.memory_space<vmem>>)
      tpu.yield
    }) : () -> ()
    %dma_start3A = arith.constant 0 : i32
    %dma_start3A_4 = arith.constant 0 : i32
    %dma_start3A_5 = tpu.memref_slice %arg2[%dma_start3A, %dma_start3A_4] : memref<12288x512xi32, #tpu.memory_space<hbm>> -> memref<12288x512xi32, #tpu.memory_space<hbm>>
    tpu.enqueue_indirect_dma source(%dma_start3A_5 : memref<12288x512xi32, #tpu.memory_space<hbm>>) target(%arg5 : memref<64x512xi32, #tpu.memory_space<vmem>>) offsets(%arg7 : memref<64xi32, #tpu.memory_space<vmem>>) semaphore(%arg9 : memref<!tpu.dma_semaphore, #tpu.memory_space<semaphore_mem>>)
    %dma_start3A_6 = arith.constant 0 : i32
    %dma_start3A_7 = arith.constant 0 : i32
    %dma_start3A_8 = tpu.memref_slice %arg2[%dma_start3A_6, %dma_start3A_7] : memref<12288x512xi32, #tpu.memory_space<hbm>> -> memref<12288x512xi32, #tpu.memory_space<hbm>>
    tpu.enqueue_indirect_dma source(%dma_start3A_8 : memref<12288x512xi32, #tpu.memory_space<hbm>>) target(%arg6 : memref<64x512xi32, #tpu.memory_space<vmem>>) offsets(%arg8 : memref<64xi32, #tpu.memory_space<vmem>>) semaphore(%arg9 : memref<!tpu.dma_semaphore, #tpu.memory_space<semaphore_mem>>)
    %dma_wait3A = arith.constant 0 : i32
    %dma_wait3A_9 = arith.constant 0 : i32
    %dma_wait3A_10 = tpu.memref_slice %arg2[%dma_wait3A, %dma_wait3A_9] : memref<12288x512xi32, #tpu.memory_space<hbm>> -> memref<12288x512xi32, #tpu.memory_space<hbm>>
    tpu.wait_indirect_dma semaphore(%arg9 : memref<!tpu.dma_semaphore, #tpu.memory_space<semaphore_mem>>) src(%dma_wait3A_10 : memref<12288x512xi32, #tpu.memory_space<hbm>>) dst(%arg5 : memref<64x512xi32, #tpu.memory_space<vmem>>)
    %dma_start3A_11 = arith.constant 0 : i32
    %dma_start3A_12 = arith.constant 0 : i32
    %dma_start3A_13 = tpu.memref_slice %arg4[%dma_start3A_11, %mul3A_2, %dma_start3A_12] : memref<2x2048x512xi32, #tpu.memory_space<hbm>> -> memref<1x64x512xi32, #tpu.memory_space<hbm>>
    %dma_start3A_14 = tpu.memref_squeeze %dma_start3A_13 : memref<1x64x512xi32, #tpu.memory_space<hbm>> -> memref<64x512xi32, #tpu.memory_space<hbm>>
    %dma_start3A_15 = arith.constant 0 : i32
    %dma_start3A_16 = tpu.memref_slice %arg4[%dma_start3A_11, %mul3A_2, %dma_start3A_15] : memref<2x2048x512xi32, #tpu.memory_space<hbm>> -> memref<1x64x512xi32, #tpu.memory_space<hbm>>
    %dma_start3A_17 = tpu.memref_squeeze %dma_start3A_16 : memref<1x64x512xi32, #tpu.memory_space<hbm>> -> memref<64x512xi32, #tpu.memory_space<hbm>>
    tpu.enqueue_dma source(%arg5 : memref<64x512xi32, #tpu.memory_space<vmem>>) target(%dma_start3A_17 : memref<64x512xi32, #tpu.memory_space<hbm>>) target_semaphore(%arg10 : memref<!tpu.dma_semaphore, #tpu.memory_space<semaphore_mem>>)
    %dma_wait3A_18 = arith.constant 0 : i32
    %dma_wait3A_19 = arith.constant 0 : i32
    %dma_wait3A_20 = tpu.memref_slice %arg2[%dma_wait3A_18, %dma_wait3A_19] : memref<12288x512xi32, #tpu.memory_space<hbm>> -> memref<12288x512xi32, #tpu.memory_space<hbm>>
    tpu.wait_indirect_dma semaphore(%arg9 : memref<!tpu.dma_semaphore, #tpu.memory_space<semaphore_mem>>) src(%dma_wait3A_20 : memref<12288x512xi32, #tpu.memory_space<hbm>>) dst(%arg6 : memref<64x512xi32, #tpu.memory_space<vmem>>)
    %dma_start3A_21 = arith.constant 1 : i32
    %dma_start3A_22 = arith.constant 0 : i32
    %dma_start3A_23 = tpu.memref_slice %arg4[%dma_start3A_21, %mul3A_2, %dma_start3A_22] : memref<2x2048x512xi32, #tpu.memory_space<hbm>> -> memref<1x64x512xi32, #tpu.memory_space<hbm>>
    %dma_start3A_24 = tpu.memref_squeeze %dma_start3A_23 : memref<1x64x512xi32, #tpu.memory_space<hbm>> -> memref<64x512xi32, #tpu.memory_space<hbm>>
    %dma_start3A_25 = arith.constant 0 : i32
    %dma_start3A_26 = tpu.memref_slice %arg4[%dma_start3A_21, %mul3A_2, %dma_start3A_25] : memref<2x2048x512xi32, #tpu.memory_space<hbm>> -> memref<1x64x512xi32, #tpu.memory_space<hbm>>
    %dma_start3A_27 = tpu.memref_squeeze %dma_start3A_26 : memref<1x64x512xi32, #tpu.memory_space<hbm>> -> memref<64x512xi32, #tpu.memory_space<hbm>>
    tpu.enqueue_dma source(%arg6 : memref<64x512xi32, #tpu.memory_space<vmem>>) target(%dma_start3A_27 : memref<64x512xi32, #tpu.memory_space<hbm>>) target_semaphore(%arg10 : memref<!tpu.dma_semaphore, #tpu.memory_space<semaphore_mem>>)
    %dma_wait3A_28 = arith.constant 0 : i32
    %dma_wait3A_29 = arith.constant 0 : i32
    %dma_wait3A_30 = tpu.memref_slice %arg4[%dma_wait3A_28, %mul3A_2, %dma_wait3A_29] : memref<2x2048x512xi32, #tpu.memory_space<hbm>> -> memref<1x64x512xi32, #tpu.memory_space<hbm>>
    %dma_wait3A_31 = tpu.memref_squeeze %dma_wait3A_30 : memref<1x64x512xi32, #tpu.memory_space<hbm>> -> memref<64x512xi32, #tpu.memory_space<hbm>>
    %dma_wait3A_32 = arith.constant 0 : i32
    %dma_wait3A_33 = tpu.memref_slice %arg4[%dma_wait3A_28, %mul3A_2, %dma_wait3A_32] : memref<2x2048x512xi32, #tpu.memory_space<hbm>> -> memref<1x64x512xi32, #tpu.memory_space<hbm>>
    %dma_wait3A_34 = tpu.memref_squeeze %dma_wait3A_33 : memref<1x64x512xi32, #tpu.memory_space<hbm>> -> memref<64x512xi32, #tpu.memory_space<hbm>>
    tpu.wait_dma2 semaphore(%arg10 : memref<!tpu.dma_semaphore, #tpu.memory_space<semaphore_mem>>) src(%arg5 : memref<64x512xi32, #tpu.memory_space<vmem>>) dst(%dma_wait3A_34 : memref<64x512xi32, #tpu.memory_space<hbm>>)
    %dma_wait3A_35 = arith.constant 1 : i32
    %dma_wait3A_36 = arith.constant 0 : i32
    %dma_wait3A_37 = tpu.memref_slice %arg4[%dma_wait3A_35, %mul3A_2, %dma_wait3A_36] : memref<2x2048x512xi32, #tpu.memory_space<hbm>> -> memref<1x64x512xi32, #tpu.memory_space<hbm>>
    %dma_wait3A_38 = tpu.memref_squeeze %dma_wait3A_37 : memref<1x64x512xi32, #tpu.memory_space<hbm>> -> memref<64x512xi32, #tpu.memory_space<hbm>>
    %dma_wait3A_39 = arith.constant 0 : i32
    %dma_wait3A_40 = tpu.memref_slice %arg4[%dma_wait3A_35, %mul3A_2, %dma_wait3A_39] : memref<2x2048x512xi32, #tpu.memory_space<hbm>> -> memref<1x64x512xi32, #tpu.memory_space<hbm>>
    %dma_wait3A_41 = tpu.memref_squeeze %dma_wait3A_40 : memref<1x64x512xi32, #tpu.memory_space<hbm>> -> memref<64x512xi32, #tpu.memory_space<hbm>>
    tpu.wait_dma2 semaphore(%arg10 : memref<!tpu.dma_semaphore, #tpu.memory_space<semaphore_mem>>) src(%arg6 : memref<64x512xi32, #tpu.memory_space<vmem>>) dst(%dma_wait3A_41 : memref<64x512xi32, #tpu.memory_space<hbm>>)
    return
  }
}

module attributes {stable_mosaic.version = 14 : i64} {
  func.func @_routing_kernel(%arg0: memref<2048x1024xf32, #tpu.memory_space<vmem>>, %arg1: memref<1x1024xf32, #tpu.memory_space<vmem>>, %arg2: memref<1024x128xf32, #tpu.memory_space<vmem>>, %arg3: memref<2048x512xi32, #tpu.memory_space<vmem>>, %arg4: memref<2048x128xi32, #tpu.memory_space<vmem>>, %arg5: memref<2048x128xf32, #tpu.memory_space<vmem>>, %arg6: memref<8x128xi32, #tpu.memory_space<vmem>>) attributes {dimension_semantics = [], scalar_prefetch = 0 : i64, scratch_operands = 0 : i64, tpu.core_type = #tpu.core_type<tc>} {
    %get3A = arith.constant 0 : index
    %get3A_0 = arith.constant 0 : index
    %get3A_1 = vector.load %arg0[%get3A, %get3A_0] : memref<2048x1024xf32, #tpu.memory_space<vmem>>, vector<2048x1024xf32>
    %mul3A = arith.mulf %get3A_1, %get3A_1 : vector<2048x1024xf32>
    %reduce_sum3A = arith.constant dense<0.000000e+00> : vector<2048xf32>
    %reduce_sum3A_2 = vector.multi_reduction <add>, %mul3A, %reduce_sum3A [1] : vector<2048x1024xf32> to vector<2048xf32>
    %broadcast_in_dim3A = vector.shape_cast %reduce_sum3A_2 : vector<2048xf32> to vector<2048x1xf32>
    %div3A = arith.constant 1.024000e+03 : f32
    %div3A_3 = vector.broadcast %div3A : f32 to vector<2048x1xf32>
    %div3A_4 = arith.divf %broadcast_in_dim3A, %div3A_3 : vector<2048x1xf32>
    %add3A = arith.constant 9.99999997E-7 : f32
    %add3A_5 = vector.broadcast %add3A : f32 to vector<2048x1xf32>
    %add3A_6 = arith.addf %div3A_4, %add3A_5 : vector<2048x1xf32>
    %rsqrt3A = math.rsqrt %add3A_6 : vector<2048x1xf32>
    %mul3A_7 = vector.broadcast %rsqrt3A : vector<2048x1xf32> to vector<2048x1024xf32>
    %mul3A_8 = arith.mulf %get3A_1, %mul3A_7 : vector<2048x1024xf32>
    %get3A_9 = arith.constant 0 : index
    %get3A_10 = arith.constant 0 : index
    %get3A_11 = vector.load %arg1[%get3A_9, %get3A_10] : memref<1x1024xf32, #tpu.memory_space<vmem>>, vector<1x1024xf32>
    %mul3A_12 = vector.broadcast %get3A_11 : vector<1x1024xf32> to vector<2048x1024xf32>
    %mul3A_13 = arith.mulf %mul3A_8, %mul3A_12 : vector<2048x1024xf32>
    %slice3A = vector.extract_strided_slice %mul3A_13 {offsets = [0, 0], sizes = [2048, 512], strides = [1, 1]} : vector<2048x1024xf32> to vector<2048x512xf32>
    %slice3A_14 = vector.extract_strided_slice %mul3A_13 {offsets = [0, 512], sizes = [2048, 512], strides = [1, 1]} : vector<2048x1024xf32> to vector<2048x512xf32>
    %convert_element_type3A = arith.truncf %slice3A : vector<2048x512xf32> to vector<2048x512xbf16>
    %convert_element_type3A_15 = arith.extf %convert_element_type3A : vector<2048x512xbf16> to vector<2048x512xf32>
    %bitcast_convert_type3A = tpu.bitcast %convert_element_type3A_15 : vector<2048x512xf32> -> vector<2048x512xi32>
    %convert_element_type3A_16 = arith.truncf %slice3A_14 : vector<2048x512xf32> to vector<2048x512xbf16>
    %convert_element_type3A_17 = arith.extf %convert_element_type3A_16 : vector<2048x512xbf16> to vector<2048x512xf32>
    %bitcast_convert_type3A_18 = tpu.bitcast %convert_element_type3A_17 : vector<2048x512xf32> -> vector<2048x512xi32>
    %and3A = arith.constant -65536 : i32
    %and3A_19 = vector.broadcast %and3A : i32 to vector<2048x512xi32>
    %and3A_20 = arith.andi %bitcast_convert_type3A_18, %and3A_19 : vector<2048x512xi32>
    %shift_right_logical3A = arith.constant 16 : i32
    %shift_right_logical3A_21 = vector.broadcast %shift_right_logical3A : i32 to vector<2048x512xi32>
    %shift_right_logical3A_22 = arith.shrui %bitcast_convert_type3A, %shift_right_logical3A_21 : vector<2048x512xi32>
    %or3A = arith.ori %and3A_20, %shift_right_logical3A_22 : vector<2048x512xi32>
    %swap3A = arith.constant 0 : index
    %swap3A_23 = arith.constant 0 : index
    %swap3A_24 = vector.load %arg3[%swap3A, %swap3A_23] : memref<2048x512xi32, #tpu.memory_space<vmem>>, vector<2048x512xi32>
    tpu.vector_store %arg3[%swap3A, %swap3A_23], %or3A {strides = array<i32>} : memref<2048x512xi32, #tpu.memory_space<vmem>>, vector<2048x512xi32>,
    %get3A_25 = arith.constant 0 : index
    %get3A_26 = arith.constant 0 : index
    %get3A_27 = vector.load %arg2[%get3A_25, %get3A_26] : memref<1024x128xf32, #tpu.memory_space<vmem>>, vector<1024x128xf32>
    %dot_general3A = arith.constant dense<0.000000e+00> : vector<2048x128xf32>
    %dot_general3A_28 = tpu.matmul %mul3A_13, %get3A_27, %dot_general3A {dimension_numbers = #tpu.dot_dimension_numbers<[1], [0], [0], [1], [0, 0, 1, 1], [], []>, transpose_lhs_hint = false} : vector<2048x1024xf32>, vector<1024x128xf32>, vector<2048x128xf32> -> vector<2048x128xf32>
    %iota3A = tpu.iota {dimensions = array<i32: 1>} : vector<2048x128xi32>
    %lt3A = arith.constant 8 : i32
    %lt3A_29 = vector.broadcast %lt3A : i32 to vector<2048x128xi32>
    %lt3A_30 = arith.cmpi slt, %iota3A, %lt3A_29 : vector<2048x128xi32>
    %jit3A = arith.constant -1.000000e+30 : f32
    %broadcast_in_dim3A_31 = vector.broadcast %jit3A : f32 to vector<2048x128xf32>
    %select_n3A = arith.select %lt3A_30, %dot_general3A_28, %broadcast_in_dim3A_31 : vector<2048x128xi1>, vector<2048x128xf32>
    %reduce_max3A = arith.constant dense<0xFF800000> : vector<2048xf32>
    %reduce_max3A_32 = vector.multi_reduction <maximumf>, %select_n3A, %reduce_max3A [1] : vector<2048x128xf32> to vector<2048xf32>
    %broadcast_in_dim3A_33 = vector.shape_cast %reduce_max3A_32 : vector<2048xf32> to vector<2048x1xf32>
    %sub3A = vector.broadcast %broadcast_in_dim3A_33 : vector<2048x1xf32> to vector<2048x128xf32>
    %sub3A_34 = arith.subf %select_n3A, %sub3A : vector<2048x128xf32>
    %exp3A = math.exp %sub3A_34 : vector<2048x128xf32>
    %jit3A_35 = arith.constant 0.000000e+00 : f32
    %broadcast_in_dim3A_36 = vector.broadcast %jit3A_35 : f32 to vector<2048x128xf32>
    %select_n3A_37 = arith.select %lt3A_30, %exp3A, %broadcast_in_dim3A_36 : vector<2048x128xi1>, vector<2048x128xf32>
    %reduce_sum3A_38 = arith.constant dense<0.000000e+00> : vector<2048xf32>
    %reduce_sum3A_39 = vector.multi_reduction <add>, %select_n3A_37, %reduce_sum3A_38 [1] : vector<2048x128xf32> to vector<2048xf32>
    %broadcast_in_dim3A_40 = vector.shape_cast %reduce_sum3A_39 : vector<2048xf32> to vector<2048x1xf32>
    %div3A_41 = vector.broadcast %broadcast_in_dim3A_40 : vector<2048x1xf32> to vector<2048x128xf32>
    %div3A_42 = arith.divf %select_n3A_37, %div3A_41 : vector<2048x128xf32>
    %reduce_max3A_43 = arith.constant dense<0xFF800000> : vector<2048xf32>
    %reduce_max3A_44 = vector.multi_reduction <maximumf>, %div3A_42, %reduce_max3A_43 [1] : vector<2048x128xf32> to vector<2048xf32>
    %broadcast_in_dim3A_45 = vector.shape_cast %reduce_max3A_44 : vector<2048xf32> to vector<2048x1xf32>
    %eq3A = vector.broadcast %broadcast_in_dim3A_45 : vector<2048x1xf32> to vector<2048x128xf32>
    %eq3A_46 = arith.cmpf oeq, %div3A_42, %eq3A : vector<2048x128xf32>
    %and3A_47 = arith.andi %eq3A_46, %lt3A_30 : vector<2048x128xi1>
    %jit3A_48 = arith.constant 128 : i32
    %broadcast_in_dim3A_49 = vector.broadcast %jit3A_48 : i32 to vector<2048x128xi32>
    %select_n3A_50 = arith.select %and3A_47, %iota3A, %broadcast_in_dim3A_49 : vector<2048x128xi1>, vector<2048x128xi32>
    %reduce_min3A = arith.constant dense<2147483647> : vector<2048xi32>
    %reduce_min3A_51 = vector.multi_reduction <minsi>, %select_n3A_50, %reduce_min3A [1] : vector<2048x128xi32> to vector<2048xi32>
    %broadcast_in_dim3A_52 = vector.shape_cast %reduce_min3A_51 : vector<2048xi32> to vector<2048x1xi32>
    %eq3A_53 = vector.broadcast %broadcast_in_dim3A_52 : vector<2048x1xi32> to vector<2048x128xi32>
    %eq3A_54 = arith.cmpi eq, %iota3A, %eq3A_53 : vector<2048x128xi32>
    %jit3A_55 = arith.constant -1.000000e+00 : f32
    %broadcast_in_dim3A_56 = vector.broadcast %jit3A_55 : f32 to vector<2048x128xf32>
    %select_n3A_57 = arith.select %eq3A_54, %broadcast_in_dim3A_56, %div3A_42 : vector<2048x128xi1>, vector<2048x128xf32>
    %reduce_max3A_58 = arith.constant dense<0xFF800000> : vector<2048xf32>
    %reduce_max3A_59 = vector.multi_reduction <maximumf>, %select_n3A_57, %reduce_max3A_58 [1] : vector<2048x128xf32> to vector<2048xf32>
    %broadcast_in_dim3A_60 = vector.shape_cast %reduce_max3A_59 : vector<2048xf32> to vector<2048x1xf32>
    %eq3A_61 = vector.broadcast %broadcast_in_dim3A_60 : vector<2048x1xf32> to vector<2048x128xf32>
    %eq3A_62 = arith.cmpf oeq, %select_n3A_57, %eq3A_61 : vector<2048x128xf32>
    %and3A_63 = arith.andi %eq3A_62, %lt3A_30 : vector<2048x128xi1>
    %jit3A_64 = arith.constant 128 : i32
    %broadcast_in_dim3A_65 = vector.broadcast %jit3A_64 : i32 to vector<2048x128xi32>
    %select_n3A_66 = arith.select %and3A_63, %iota3A, %broadcast_in_dim3A_65 : vector<2048x128xi1>, vector<2048x128xi32>
    %reduce_min3A_67 = arith.constant dense<2147483647> : vector<2048xi32>
    %reduce_min3A_68 = vector.multi_reduction <minsi>, %select_n3A_66, %reduce_min3A_67 [1] : vector<2048x128xi32> to vector<2048xi32>
    %broadcast_in_dim3A_69 = vector.shape_cast %reduce_min3A_68 : vector<2048xi32> to vector<2048x1xi32>
    %eq3A_70 = vector.broadcast %broadcast_in_dim3A_69 : vector<2048x1xi32> to vector<2048x128xi32>
    %eq3A_71 = arith.cmpi eq, %iota3A, %eq3A_70 : vector<2048x128xi32>
    %add3A_72 = arith.addf %broadcast_in_dim3A_45, %broadcast_in_dim3A_60 : vector<2048x1xf32>
    %eq3A_73 = arith.constant 0 : i32
    %eq3A_74 = vector.broadcast %eq3A_73 : i32 to vector<2048x128xi32>
    %eq3A_75 = arith.cmpi eq, %iota3A, %eq3A_74 : vector<2048x128xi32>
    %div3A_76 = arith.divf %broadcast_in_dim3A_45, %add3A_72 : vector<2048x1xf32>
    %eq3A_77 = arith.constant 1 : i32
    %eq3A_78 = vector.broadcast %eq3A_77 : i32 to vector<2048x128xi32>
    %eq3A_79 = arith.cmpi eq, %iota3A, %eq3A_78 : vector<2048x128xi32>
    %div3A_80 = arith.divf %broadcast_in_dim3A_60, %add3A_72 : vector<2048x1xf32>
    %jit3A_81 = arith.constant 0.000000e+00 : f32
    %broadcast_in_dim3A_82 = vector.shape_cast %div3A_80 : vector<2048x1xf32> to vector<2048x1xf32>
    %broadcast_in_dim3A_83 = vector.broadcast %broadcast_in_dim3A_82 : vector<2048x1xf32> to vector<2048x128xf32>
    %broadcast_in_dim3A_84 = vector.broadcast %jit3A_81 : f32 to vector<2048x128xf32>
    %select_n3A_85 = arith.select %eq3A_79, %broadcast_in_dim3A_83, %broadcast_in_dim3A_84 : vector<2048x128xi1>, vector<2048x128xf32>
    %broadcast_in_dim3A_86 = vector.shape_cast %div3A_76 : vector<2048x1xf32> to vector<2048x1xf32>
    %broadcast_in_dim3A_87 = vector.broadcast %broadcast_in_dim3A_86 : vector<2048x1xf32> to vector<2048x128xf32>
    %select_n3A_88 = arith.select %eq3A_75, %broadcast_in_dim3A_87, %select_n3A_85 : vector<2048x128xi1>, vector<2048x128xf32>
    %swap3A_89 = arith.constant 0 : index
    %swap3A_90 = arith.constant 0 : index
    %swap3A_91 = vector.load %arg5[%swap3A_89, %swap3A_90] : memref<2048x128xf32, #tpu.memory_space<vmem>>, vector<2048x128xf32>
    tpu.vector_store %arg5[%swap3A_89, %swap3A_90], %select_n3A_88 {strides = array<i32>} : memref<2048x128xf32, #tpu.memory_space<vmem>>, vector<2048x128xf32>,
    %or3A_92 = arith.ori %eq3A_54, %eq3A_71 : vector<2048x128xi1>
    %convert_element_type3A_93 = arith.extui %or3A_92 : vector<2048x128xi1> to vector<2048x128xi32>
    %broadcast_in_dim3A_94 = arith.constant 0 : i32
    %broadcast_in_dim3A_95 = vector.broadcast %broadcast_in_dim3A_94 : i32 to vector<1x128xi32>
    %slice3A_96 = vector.extract_strided_slice %convert_element_type3A_93 {offsets = [0, 0], sizes = [2047, 128], strides = [1, 1]} : vector<2048x128xi32> to vector<2047x128xi32>
    %concatenate3A = tpu.concatenate %broadcast_in_dim3A_95, %slice3A_96 in 0 : vector<1x128xi32>, vector<2047x128xi32> -> vector<2048x128xi32>
    %add3A_97 = arith.addi %convert_element_type3A_93, %concatenate3A : vector<2048x128xi32>
    %broadcast_in_dim3A_98 = arith.constant 0 : i32
    %broadcast_in_dim3A_99 = vector.broadcast %broadcast_in_dim3A_98 : i32 to vector<2x128xi32>
    %slice3A_100 = vector.extract_strided_slice %add3A_97 {offsets = [0, 0], sizes = [2046, 128], strides = [1, 1]} : vector<2048x128xi32> to vector<2046x128xi32>
    %concatenate3A_101 = tpu.concatenate %broadcast_in_dim3A_99, %slice3A_100 in 0 : vector<2x128xi32>, vector<2046x128xi32> -> vector<2048x128xi32>
    %add3A_102 = arith.addi %add3A_97, %concatenate3A_101 : vector<2048x128xi32>
    %broadcast_in_dim3A_103 = arith.constant 0 : i32
    %broadcast_in_dim3A_104 = vector.broadcast %broadcast_in_dim3A_103 : i32 to vector<4x128xi32>
    %slice3A_105 = vector.extract_strided_slice %add3A_102 {offsets = [0, 0], sizes = [2044, 128], strides = [1, 1]} : vector<2048x128xi32> to vector<2044x128xi32>
    %concatenate3A_106 = tpu.concatenate %broadcast_in_dim3A_104, %slice3A_105 in 0 : vector<4x128xi32>, vector<2044x128xi32> -> vector<2048x128xi32>
    %add3A_107 = arith.addi %add3A_102, %concatenate3A_106 : vector<2048x128xi32>
    %broadcast_in_dim3A_108 = arith.constant 0 : i32
    %broadcast_in_dim3A_109 = vector.broadcast %broadcast_in_dim3A_108 : i32 to vector<8x128xi32>
    %slice3A_110 = vector.extract_strided_slice %add3A_107 {offsets = [0, 0], sizes = [2040, 128], strides = [1, 1]} : vector<2048x128xi32> to vector<2040x128xi32>
    %concatenate3A_111 = tpu.concatenate %broadcast_in_dim3A_109, %slice3A_110 in 0 : vector<8x128xi32>, vector<2040x128xi32> -> vector<2048x128xi32>
    %add3A_112 = arith.addi %add3A_107, %concatenate3A_111 : vector<2048x128xi32>
    %broadcast_in_dim3A_113 = arith.constant 0 : i32
    %broadcast_in_dim3A_114 = vector.broadcast %broadcast_in_dim3A_113 : i32 to vector<16x128xi32>
    %slice3A_115 = vector.extract_strided_slice %add3A_112 {offsets = [0, 0], sizes = [2032, 128], strides = [1, 1]} : vector<2048x128xi32> to vector<2032x128xi32>
    %concatenate3A_116 = tpu.concatenate %broadcast_in_dim3A_114, %slice3A_115 in 0 : vector<16x128xi32>, vector<2032x128xi32> -> vector<2048x128xi32>
    %add3A_117 = arith.addi %add3A_112, %concatenate3A_116 : vector<2048x128xi32>
    %broadcast_in_dim3A_118 = arith.constant 0 : i32
    %broadcast_in_dim3A_119 = vector.broadcast %broadcast_in_dim3A_118 : i32 to vector<32x128xi32>
    %slice3A_120 = vector.extract_strided_slice %add3A_117 {offsets = [0, 0], sizes = [2016, 128], strides = [1, 1]} : vector<2048x128xi32> to vector<2016x128xi32>
    %concatenate3A_121 = tpu.concatenate %broadcast_in_dim3A_119, %slice3A_120 in 0 : vector<32x128xi32>, vector<2016x128xi32> -> vector<2048x128xi32>
    %add3A_122 = arith.addi %add3A_117, %concatenate3A_121 : vector<2048x128xi32>
    %broadcast_in_dim3A_123 = arith.constant 0 : i32
    %broadcast_in_dim3A_124 = vector.broadcast %broadcast_in_dim3A_123 : i32 to vector<64x128xi32>
    %slice3A_125 = vector.extract_strided_slice %add3A_122 {offsets = [0, 0], sizes = [1984, 128], strides = [1, 1]} : vector<2048x128xi32> to vector<1984x128xi32>
    %concatenate3A_126 = tpu.concatenate %broadcast_in_dim3A_124, %slice3A_125 in 0 : vector<64x128xi32>, vector<1984x128xi32> -> vector<2048x128xi32>
    %add3A_127 = arith.addi %add3A_122, %concatenate3A_126 : vector<2048x128xi32>
    %broadcast_in_dim3A_128 = arith.constant 0 : i32
    %broadcast_in_dim3A_129 = vector.broadcast %broadcast_in_dim3A_128 : i32 to vector<128x128xi32>
    %slice3A_130 = vector.extract_strided_slice %add3A_127 {offsets = [0, 0], sizes = [1920, 128], strides = [1, 1]} : vector<2048x128xi32> to vector<1920x128xi32>
    %concatenate3A_131 = tpu.concatenate %broadcast_in_dim3A_129, %slice3A_130 in 0 : vector<128x128xi32>, vector<1920x128xi32> -> vector<2048x128xi32>
    %add3A_132 = arith.addi %add3A_127, %concatenate3A_131 : vector<2048x128xi32>
    %broadcast_in_dim3A_133 = arith.constant 0 : i32
    %broadcast_in_dim3A_134 = vector.broadcast %broadcast_in_dim3A_133 : i32 to vector<256x128xi32>
    %slice3A_135 = vector.extract_strided_slice %add3A_132 {offsets = [0, 0], sizes = [1792, 128], strides = [1, 1]} : vector<2048x128xi32> to vector<1792x128xi32>
    %concatenate3A_136 = tpu.concatenate %broadcast_in_dim3A_134, %slice3A_135 in 0 : vector<256x128xi32>, vector<1792x128xi32> -> vector<2048x128xi32>
    %add3A_137 = arith.addi %add3A_132, %concatenate3A_136 : vector<2048x128xi32>
    %broadcast_in_dim3A_138 = arith.constant 0 : i32
    %broadcast_in_dim3A_139 = vector.broadcast %broadcast_in_dim3A_138 : i32 to vector<512x128xi32>
    %slice3A_140 = vector.extract_strided_slice %add3A_137 {offsets = [0, 0], sizes = [1536, 128], strides = [1, 1]} : vector<2048x128xi32> to vector<1536x128xi32>
    %concatenate3A_141 = tpu.concatenate %broadcast_in_dim3A_139, %slice3A_140 in 0 : vector<512x128xi32>, vector<1536x128xi32> -> vector<2048x128xi32>
    %add3A_142 = arith.addi %add3A_137, %concatenate3A_141 : vector<2048x128xi32>
    %broadcast_in_dim3A_143 = arith.constant 0 : i32
    %broadcast_in_dim3A_144 = vector.broadcast %broadcast_in_dim3A_143 : i32 to vector<1024x128xi32>
    %slice3A_145 = vector.extract_strided_slice %add3A_142 {offsets = [0, 0], sizes = [1024, 128], strides = [1, 1]} : vector<2048x128xi32> to vector<1024x128xi32>
    %concatenate3A_146 = tpu.concatenate %broadcast_in_dim3A_144, %slice3A_145 in 0 : vector<1024x128xi32>, vector<1024x128xi32> -> vector<2048x128xi32>
    %add3A_147 = arith.addi %add3A_142, %concatenate3A_146 : vector<2048x128xi32>
    %sub3A_148 = arith.subi %add3A_147, %convert_element_type3A_93 : vector<2048x128xi32>
    %slice3A_149 = vector.extract_strided_slice %add3A_147 {offsets = [2047, 0], sizes = [1, 128], strides = [1, 1]} : vector<2048x128xi32> to vector<1x128xi32>
    %slice3A_150 = vector.extract_strided_slice %iota3A {offsets = [0, 0], sizes = [1, 128], strides = [1, 1]} : vector<2048x128xi32> to vector<1x128xi32>
    %lt3A_151 = arith.constant 8 : i32
    %lt3A_152 = vector.broadcast %lt3A_151 : i32 to vector<1x128xi32>
    %lt3A_153 = arith.cmpi slt, %slice3A_150, %lt3A_152 : vector<1x128xi32>
    %add3A_154 = arith.constant 1023 : i32
    %add3A_155 = vector.broadcast %add3A_154 : i32 to vector<1x128xi32>
    %add3A_156 = arith.addi %slice3A_149, %add3A_155 : vector<1x128xi32>
    %shift_right_arithmetic3A = arith.constant 10 : i32
    %shift_right_arithmetic3A_157 = vector.broadcast %shift_right_arithmetic3A : i32 to vector<1x128xi32>
    %shift_right_arithmetic3A_158 = arith.shrsi %add3A_156, %shift_right_arithmetic3A_157 : vector<1x128xi32>
    %jit3A_159 = arith.constant 0 : i32
    %broadcast_in_dim3A_160 = vector.broadcast %jit3A_159 : i32 to vector<1x128xi32>
    %select_n3A_161 = arith.select %lt3A_153, %shift_right_arithmetic3A_158, %broadcast_in_dim3A_160 : vector<1x128xi1>, vector<1x128xi32>
    %iota3A_162 = tpu.iota {dimensions = array<i32: 0>} : vector<128x128xi32>
    %iota3A_163 = tpu.iota {dimensions = array<i32: 1>} : vector<128x128xi32>
    %lt3A_164 = arith.cmpi slt, %iota3A_162, %iota3A_163 : vector<128x128xi32>
    %convert_element_type3A_165 = arith.extui %lt3A_164 : vector<128x128xi1> to vector<128x128xi32>
    %convert_element_type3A_166 = arith.sitofp %convert_element_type3A_165 : vector<128x128xi32> to vector<128x128xf32>
    %convert_element_type3A_167 = arith.sitofp %select_n3A_161 : vector<1x128xi32> to vector<1x128xf32>
    %broadcast_in_dim3A_168 = vector.shape_cast %convert_element_type3A_167 : vector<1x128xf32> to vector<1x128xf32>
    %broadcast_in_dim3A_169 = vector.broadcast %broadcast_in_dim3A_168 : vector<1x128xf32> to vector<8x128xf32>
    %dot_general3A_170 = arith.constant dense<0.000000e+00> : vector<8x128xf32>
    %dot_general3A_171 = tpu.matmul %broadcast_in_dim3A_169, %convert_element_type3A_166, %dot_general3A_170 {dimension_numbers = #tpu.dot_dimension_numbers<[1], [0], [0], [1], [0, 0, 1, 1], [], []>, transpose_lhs_hint = false} : vector<8x128xf32>, vector<128x128xf32>, vector<8x128xf32> -> vector<8x128xf32>
    %slice3A_172 = vector.extract_strided_slice %dot_general3A_171 {offsets = [0, 0], sizes = [1, 128], strides = [1, 1]} : vector<8x128xf32> to vector<1x128xf32>
    %mul3A_173 = arith.constant 1.024000e+03 : f32
    %mul3A_174 = vector.broadcast %mul3A_173 : f32 to vector<1x128xf32>
    %mul3A_175 = arith.mulf %slice3A_172, %mul3A_174 : vector<1x128xf32>
    %convert_element_type3A_176 = arith.fptosi %mul3A_175 : vector<1x128xf32> to vector<1x128xi32>
    %jit3A_177 = arith.constant 0 : i32
    %broadcast_in_dim3A_178 = vector.broadcast %jit3A_177 : i32 to vector<2048x128xi32>
    %select_n3A_179 = arith.select %eq3A_54, %sub3A_148, %broadcast_in_dim3A_178 : vector<2048x128xi1>, vector<2048x128xi32>
    %reduce_sum3A_180 = arith.constant dense<0> : vector<2048xi32>
    %reduce_sum3A_181 = vector.multi_reduction <add>, %select_n3A_179, %reduce_sum3A_180 [1] : vector<2048x128xi32> to vector<2048xi32>
    %broadcast_in_dim3A_182 = vector.shape_cast %reduce_sum3A_181 : vector<2048xi32> to vector<2048x1xi32>
    %jit3A_183 = arith.constant 0 : i32
    %broadcast_in_dim3A_184 = vector.broadcast %jit3A_183 : i32 to vector<2048x128xi32>
    %select_n3A_185 = arith.select %eq3A_71, %sub3A_148, %broadcast_in_dim3A_184 : vector<2048x128xi1>, vector<2048x128xi32>
    %reduce_sum3A_186 = arith.constant dense<0> : vector<2048xi32>
    %reduce_sum3A_187 = vector.multi_reduction <add>, %select_n3A_185, %reduce_sum3A_186 [1] : vector<2048x128xi32> to vector<2048xi32>
    %broadcast_in_dim3A_188 = vector.shape_cast %reduce_sum3A_187 : vector<2048xi32> to vector<2048x1xi32>
    %jit3A_189 = arith.constant 0 : i32
    %broadcast_in_dim3A_190 = vector.shape_cast %convert_element_type3A_176 : vector<1x128xi32> to vector<1x128xi32>
    %broadcast_in_dim3A_191 = vector.broadcast %broadcast_in_dim3A_190 : vector<1x128xi32> to vector<2048x128xi32>
    %broadcast_in_dim3A_192 = vector.broadcast %jit3A_189 : i32 to vector<2048x128xi32>
    %select_n3A_193 = arith.select %eq3A_54, %broadcast_in_dim3A_191, %broadcast_in_dim3A_192 : vector<2048x128xi1>, vector<2048x128xi32>
    %reduce_sum3A_194 = arith.constant dense<0> : vector<2048xi32>
    %reduce_sum3A_195 = vector.multi_reduction <add>, %select_n3A_193, %reduce_sum3A_194 [1] : vector<2048x128xi32> to vector<2048xi32>
    %broadcast_in_dim3A_196 = vector.shape_cast %reduce_sum3A_195 : vector<2048xi32> to vector<2048x1xi32>
    %jit3A_197 = arith.constant 0 : i32
    %broadcast_in_dim3A_198 = vector.shape_cast %convert_element_type3A_176 : vector<1x128xi32> to vector<1x128xi32>
    %broadcast_in_dim3A_199 = vector.broadcast %broadcast_in_dim3A_198 : vector<1x128xi32> to vector<2048x128xi32>
    %broadcast_in_dim3A_200 = vector.broadcast %jit3A_197 : i32 to vector<2048x128xi32>
    %select_n3A_201 = arith.select %eq3A_71, %broadcast_in_dim3A_199, %broadcast_in_dim3A_200 : vector<2048x128xi1>, vector<2048x128xi32>
    %reduce_sum3A_202 = arith.constant dense<0> : vector<2048xi32>
    %reduce_sum3A_203 = vector.multi_reduction <add>, %select_n3A_201, %reduce_sum3A_202 [1] : vector<2048x128xi32> to vector<2048xi32>
    %broadcast_in_dim3A_204 = vector.shape_cast %reduce_sum3A_203 : vector<2048xi32> to vector<2048x1xi32>
    %eq3A_205 = arith.constant 0 : i32
    %eq3A_206 = vector.broadcast %eq3A_205 : i32 to vector<2048x128xi32>
    %eq3A_207 = arith.cmpi eq, %iota3A, %eq3A_206 : vector<2048x128xi32>
    %add3A_208 = arith.addi %broadcast_in_dim3A_196, %broadcast_in_dim3A_182 : vector<2048x1xi32>
    %eq3A_209 = arith.constant 1 : i32
    %eq3A_210 = vector.broadcast %eq3A_209 : i32 to vector<2048x128xi32>
    %eq3A_211 = arith.cmpi eq, %iota3A, %eq3A_210 : vector<2048x128xi32>
    %add3A_212 = arith.addi %broadcast_in_dim3A_204, %broadcast_in_dim3A_188 : vector<2048x1xi32>
    %jit3A_213 = arith.constant 0 : i32
    %broadcast_in_dim3A_214 = vector.shape_cast %add3A_212 : vector<2048x1xi32> to vector<2048x1xi32>
    %broadcast_in_dim3A_215 = vector.broadcast %broadcast_in_dim3A_214 : vector<2048x1xi32> to vector<2048x128xi32>
    %broadcast_in_dim3A_216 = vector.broadcast %jit3A_213 : i32 to vector<2048x128xi32>
    %select_n3A_217 = arith.select %eq3A_211, %broadcast_in_dim3A_215, %broadcast_in_dim3A_216 : vector<2048x128xi1>, vector<2048x128xi32>
    %broadcast_in_dim3A_218 = vector.shape_cast %add3A_208 : vector<2048x1xi32> to vector<2048x1xi32>
    %broadcast_in_dim3A_219 = vector.broadcast %broadcast_in_dim3A_218 : vector<2048x1xi32> to vector<2048x128xi32>
    %select_n3A_220 = arith.select %eq3A_207, %broadcast_in_dim3A_219, %select_n3A_217 : vector<2048x128xi1>, vector<2048x128xi32>
    %swap3A_221 = arith.constant 0 : index
    %swap3A_222 = arith.constant 0 : index
    %swap3A_223 = vector.load %arg4[%swap3A_221, %swap3A_222] : memref<2048x128xi32, #tpu.memory_space<vmem>>, vector<2048x128xi32>
    tpu.vector_store %arg4[%swap3A_221, %swap3A_222], %select_n3A_220 {strides = array<i32>} : memref<2048x128xi32, #tpu.memory_space<vmem>>, vector<2048x128xi32>,
    %slice3A_224 = vector.extract_strided_slice %iota3A {offsets = [0, 0], sizes = [1, 128], strides = [1, 1]} : vector<2048x128xi32> to vector<1x128xi32>
    %reduce_sum3A_225 = arith.constant dense<0> : vector<1xi32>
    %reduce_sum3A_226 = vector.multi_reduction <add>, %select_n3A_161, %reduce_sum3A_225 [1] : vector<1x128xi32> to vector<1xi32>
    %broadcast_in_dim3A_227 = vector.shape_cast %reduce_sum3A_226 : vector<1xi32> to vector<1x1xi32>
    %broadcast_in_dim3A_228 = arith.constant 0 : i32
    %broadcast_in_dim3A_229 = vector.broadcast %broadcast_in_dim3A_228 : i32 to vector<1x128xi32>
    %eq3A_230 = arith.constant 0 : i32
    %eq3A_231 = vector.broadcast %eq3A_230 : i32 to vector<1x128xi32>
    %eq3A_232 = arith.cmpi eq, %slice3A_224, %eq3A_231 : vector<1x128xi32>
    %jit3A_233 = arith.constant 0 : i32
    %broadcast_in_dim3A_234 = vector.broadcast %jit3A_233 : i32 to vector<1x128xi32>
    %select_n3A_235 = arith.select %eq3A_232, %convert_element_type3A_176, %broadcast_in_dim3A_234 : vector<1x128xi1>, vector<1x128xi32>
    %reduce_sum3A_236 = arith.constant dense<0> : vector<1xi32>
    %reduce_sum3A_237 = vector.multi_reduction <add>, %select_n3A_235, %reduce_sum3A_236 [1] : vector<1x128xi32> to vector<1xi32>
    %broadcast_in_dim3A_238 = vector.shape_cast %reduce_sum3A_237 : vector<1xi32> to vector<1x1xi32>
    %mul3A_239 = arith.constant 1024 : i32
    %mul3A_240 = vector.broadcast %mul3A_239 : i32 to vector<1x128xi32>
    %mul3A_241 = arith.muli %slice3A_224, %mul3A_240 : vector<1x128xi32>
    %le3A = vector.broadcast %broadcast_in_dim3A_238 : vector<1x1xi32> to vector<1x128xi32>
    %le3A_242 = arith.cmpi sle, %le3A, %mul3A_241 : vector<1x128xi32>
    %convert_element_type3A_243 = arith.extui %le3A_242 : vector<1x128xi1> to vector<1x128xi32>
    %add3A_244 = arith.addi %broadcast_in_dim3A_229, %convert_element_type3A_243 : vector<1x128xi32>
    %eq3A_245 = arith.constant 1 : i32
    %eq3A_246 = vector.broadcast %eq3A_245 : i32 to vector<1x128xi32>
    %eq3A_247 = arith.cmpi eq, %slice3A_224, %eq3A_246 : vector<1x128xi32>
    %jit3A_248 = arith.constant 0 : i32
    %broadcast_in_dim3A_249 = vector.broadcast %jit3A_248 : i32 to vector<1x128xi32>
    %select_n3A_250 = arith.select %eq3A_247, %convert_element_type3A_176, %broadcast_in_dim3A_249 : vector<1x128xi1>, vector<1x128xi32>
    %reduce_sum3A_251 = arith.constant dense<0> : vector<1xi32>
    %reduce_sum3A_252 = vector.multi_reduction <add>, %select_n3A_250, %reduce_sum3A_251 [1] : vector<1x128xi32> to vector<1xi32>
    %broadcast_in_dim3A_253 = vector.shape_cast %reduce_sum3A_252 : vector<1xi32> to vector<1x1xi32>
    %mul3A_254 = arith.constant 1024 : i32
    %mul3A_255 = vector.broadcast %mul3A_254 : i32 to vector<1x128xi32>
    %mul3A_256 = arith.muli %slice3A_224, %mul3A_255 : vector<1x128xi32>
    %le3A_257 = vector.broadcast %broadcast_in_dim3A_253 : vector<1x1xi32> to vector<1x128xi32>
    %le3A_258 = arith.cmpi sle, %le3A_257, %mul3A_256 : vector<1x128xi32>
    %convert_element_type3A_259 = arith.extui %le3A_258 : vector<1x128xi1> to vector<1x128xi32>
    %add3A_260 = arith.addi %add3A_244, %convert_element_type3A_259 : vector<1x128xi32>
    %eq3A_261 = arith.constant 2 : i32
    %eq3A_262 = vector.broadcast %eq3A_261 : i32 to vector<1x128xi32>
    %eq3A_263 = arith.cmpi eq, %slice3A_224, %eq3A_262 : vector<1x128xi32>
    %jit3A_264 = arith.constant 0 : i32
    %broadcast_in_dim3A_265 = vector.broadcast %jit3A_264 : i32 to vector<1x128xi32>
    %select_n3A_266 = arith.select %eq3A_263, %convert_element_type3A_176, %broadcast_in_dim3A_265 : vector<1x128xi1>, vector<1x128xi32>
    %reduce_sum3A_267 = arith.constant dense<0> : vector<1xi32>
    %reduce_sum3A_268 = vector.multi_reduction <add>, %select_n3A_266, %reduce_sum3A_267 [1] : vector<1x128xi32> to vector<1xi32>
    %broadcast_in_dim3A_269 = vector.shape_cast %reduce_sum3A_268 : vector<1xi32> to vector<1x1xi32>
    %mul3A_270 = arith.constant 1024 : i32
    %mul3A_271 = vector.broadcast %mul3A_270 : i32 to vector<1x128xi32>
    %mul3A_272 = arith.muli %slice3A_224, %mul3A_271 : vector<1x128xi32>
    %le3A_273 = vector.broadcast %broadcast_in_dim3A_269 : vector<1x1xi32> to vector<1x128xi32>
    %le3A_274 = arith.cmpi sle, %le3A_273, %mul3A_272 : vector<1x128xi32>
    %convert_element_type3A_275 = arith.extui %le3A_274 : vector<1x128xi1> to vector<1x128xi32>
    %add3A_276 = arith.addi %add3A_260, %convert_element_type3A_275 : vector<1x128xi32>
    %eq3A_277 = arith.constant 3 : i32
    %eq3A_278 = vector.broadcast %eq3A_277 : i32 to vector<1x128xi32>
    %eq3A_279 = arith.cmpi eq, %slice3A_224, %eq3A_278 : vector<1x128xi32>
    %jit3A_280 = arith.constant 0 : i32
    %broadcast_in_dim3A_281 = vector.broadcast %jit3A_280 : i32 to vector<1x128xi32>
    %select_n3A_282 = arith.select %eq3A_279, %convert_element_type3A_176, %broadcast_in_dim3A_281 : vector<1x128xi1>, vector<1x128xi32>
    %reduce_sum3A_283 = arith.constant dense<0> : vector<1xi32>
    %reduce_sum3A_284 = vector.multi_reduction <add>, %select_n3A_282, %reduce_sum3A_283 [1] : vector<1x128xi32> to vector<1xi32>
    %broadcast_in_dim3A_285 = vector.shape_cast %reduce_sum3A_284 : vector<1xi32> to vector<1x1xi32>
    %mul3A_286 = arith.constant 1024 : i32
    %mul3A_287 = vector.broadcast %mul3A_286 : i32 to vector<1x128xi32>
    %mul3A_288 = arith.muli %slice3A_224, %mul3A_287 : vector<1x128xi32>
    %le3A_289 = vector.broadcast %broadcast_in_dim3A_285 : vector<1x1xi32> to vector<1x128xi32>
    %le3A_290 = arith.cmpi sle, %le3A_289, %mul3A_288 : vector<1x128xi32>
    %convert_element_type3A_291 = arith.extui %le3A_290 : vector<1x128xi1> to vector<1x128xi32>
    %add3A_292 = arith.addi %add3A_276, %convert_element_type3A_291 : vector<1x128xi32>
    %eq3A_293 = arith.constant 4 : i32
    %eq3A_294 = vector.broadcast %eq3A_293 : i32 to vector<1x128xi32>
    %eq3A_295 = arith.cmpi eq, %slice3A_224, %eq3A_294 : vector<1x128xi32>
    %jit3A_296 = arith.constant 0 : i32
    %broadcast_in_dim3A_297 = vector.broadcast %jit3A_296 : i32 to vector<1x128xi32>
    %select_n3A_298 = arith.select %eq3A_295, %convert_element_type3A_176, %broadcast_in_dim3A_297 : vector<1x128xi1>, vector<1x128xi32>
    %reduce_sum3A_299 = arith.constant dense<0> : vector<1xi32>
    %reduce_sum3A_300 = vector.multi_reduction <add>, %select_n3A_298, %reduce_sum3A_299 [1] : vector<1x128xi32> to vector<1xi32>
    %broadcast_in_dim3A_301 = vector.shape_cast %reduce_sum3A_300 : vector<1xi32> to vector<1x1xi32>
    %mul3A_302 = arith.constant 1024 : i32
    %mul3A_303 = vector.broadcast %mul3A_302 : i32 to vector<1x128xi32>
    %mul3A_304 = arith.muli %slice3A_224, %mul3A_303 : vector<1x128xi32>
    %le3A_305 = vector.broadcast %broadcast_in_dim3A_301 : vector<1x1xi32> to vector<1x128xi32>
    %le3A_306 = arith.cmpi sle, %le3A_305, %mul3A_304 : vector<1x128xi32>
    %convert_element_type3A_307 = arith.extui %le3A_306 : vector<1x128xi1> to vector<1x128xi32>
    %add3A_308 = arith.addi %add3A_292, %convert_element_type3A_307 : vector<1x128xi32>
    %eq3A_309 = arith.constant 5 : i32
    %eq3A_310 = vector.broadcast %eq3A_309 : i32 to vector<1x128xi32>
    %eq3A_311 = arith.cmpi eq, %slice3A_224, %eq3A_310 : vector<1x128xi32>
    %jit3A_312 = arith.constant 0 : i32
    %broadcast_in_dim3A_313 = vector.broadcast %jit3A_312 : i32 to vector<1x128xi32>
    %select_n3A_314 = arith.select %eq3A_311, %convert_element_type3A_176, %broadcast_in_dim3A_313 : vector<1x128xi1>, vector<1x128xi32>
    %reduce_sum3A_315 = arith.constant dense<0> : vector<1xi32>
    %reduce_sum3A_316 = vector.multi_reduction <add>, %select_n3A_314, %reduce_sum3A_315 [1] : vector<1x128xi32> to vector<1xi32>
    %broadcast_in_dim3A_317 = vector.shape_cast %reduce_sum3A_316 : vector<1xi32> to vector<1x1xi32>
    %mul3A_318 = arith.constant 1024 : i32
    %mul3A_319 = vector.broadcast %mul3A_318 : i32 to vector<1x128xi32>
    %mul3A_320 = arith.muli %slice3A_224, %mul3A_319 : vector<1x128xi32>
    %le3A_321 = vector.broadcast %broadcast_in_dim3A_317 : vector<1x1xi32> to vector<1x128xi32>
    %le3A_322 = arith.cmpi sle, %le3A_321, %mul3A_320 : vector<1x128xi32>
    %convert_element_type3A_323 = arith.extui %le3A_322 : vector<1x128xi1> to vector<1x128xi32>
    %add3A_324 = arith.addi %add3A_308, %convert_element_type3A_323 : vector<1x128xi32>
    %eq3A_325 = arith.constant 6 : i32
    %eq3A_326 = vector.broadcast %eq3A_325 : i32 to vector<1x128xi32>
    %eq3A_327 = arith.cmpi eq, %slice3A_224, %eq3A_326 : vector<1x128xi32>
    %jit3A_328 = arith.constant 0 : i32
    %broadcast_in_dim3A_329 = vector.broadcast %jit3A_328 : i32 to vector<1x128xi32>
    %select_n3A_330 = arith.select %eq3A_327, %convert_element_type3A_176, %broadcast_in_dim3A_329 : vector<1x128xi1>, vector<1x128xi32>
    %reduce_sum3A_331 = arith.constant dense<0> : vector<1xi32>
    %reduce_sum3A_332 = vector.multi_reduction <add>, %select_n3A_330, %reduce_sum3A_331 [1] : vector<1x128xi32> to vector<1xi32>
    %broadcast_in_dim3A_333 = vector.shape_cast %reduce_sum3A_332 : vector<1xi32> to vector<1x1xi32>
    %mul3A_334 = arith.constant 1024 : i32
    %mul3A_335 = vector.broadcast %mul3A_334 : i32 to vector<1x128xi32>
    %mul3A_336 = arith.muli %slice3A_224, %mul3A_335 : vector<1x128xi32>
    %le3A_337 = vector.broadcast %broadcast_in_dim3A_333 : vector<1x1xi32> to vector<1x128xi32>
    %le3A_338 = arith.cmpi sle, %le3A_337, %mul3A_336 : vector<1x128xi32>
    %convert_element_type3A_339 = arith.extui %le3A_338 : vector<1x128xi1> to vector<1x128xi32>
    %add3A_340 = arith.addi %add3A_324, %convert_element_type3A_339 : vector<1x128xi32>
    %eq3A_341 = arith.constant 7 : i32
    %eq3A_342 = vector.broadcast %eq3A_341 : i32 to vector<1x128xi32>
    %eq3A_343 = arith.cmpi eq, %slice3A_224, %eq3A_342 : vector<1x128xi32>
    %jit3A_344 = arith.constant 0 : i32
    %broadcast_in_dim3A_345 = vector.broadcast %jit3A_344 : i32 to vector<1x128xi32>
    %select_n3A_346 = arith.select %eq3A_343, %convert_element_type3A_176, %broadcast_in_dim3A_345 : vector<1x128xi1>, vector<1x128xi32>
    %reduce_sum3A_347 = arith.constant dense<0> : vector<1xi32>
    %reduce_sum3A_348 = vector.multi_reduction <add>, %select_n3A_346, %reduce_sum3A_347 [1] : vector<1x128xi32> to vector<1xi32>
    %broadcast_in_dim3A_349 = vector.shape_cast %reduce_sum3A_348 : vector<1xi32> to vector<1x1xi32>
    %mul3A_350 = arith.constant 1024 : i32
    %mul3A_351 = vector.broadcast %mul3A_350 : i32 to vector<1x128xi32>
    %mul3A_352 = arith.muli %slice3A_224, %mul3A_351 : vector<1x128xi32>
    %le3A_353 = vector.broadcast %broadcast_in_dim3A_349 : vector<1x1xi32> to vector<1x128xi32>
    %le3A_354 = arith.cmpi sle, %le3A_353, %mul3A_352 : vector<1x128xi32>
    %convert_element_type3A_355 = arith.extui %le3A_354 : vector<1x128xi1> to vector<1x128xi32>
    %add3A_356 = arith.addi %add3A_340, %convert_element_type3A_355 : vector<1x128xi32>
    %sub3A_357 = arith.constant 1 : i32
    %sub3A_358 = vector.broadcast %sub3A_357 : i32 to vector<1x128xi32>
    %sub3A_359 = arith.subi %add3A_356, %sub3A_358 : vector<1x128xi32>
    %lt3A_360 = vector.broadcast %broadcast_in_dim3A_227 : vector<1x1xi32> to vector<1x128xi32>
    %lt3A_361 = arith.cmpi slt, %slice3A_224, %lt3A_360 : vector<1x128xi32>
    %convert_element_type3A_362 = arith.extui %lt3A_361 : vector<1x128xi1> to vector<1x128xi32>
    %sub3A_363 = arith.constant 1 : i32
    %sub3A_364 = vector.broadcast %sub3A_363 : i32 to vector<1x1xi32>
    %sub3A_365 = arith.subi %broadcast_in_dim3A_227, %sub3A_364 : vector<1x1xi32>
    %eq3A_366 = vector.broadcast %sub3A_365 : vector<1x1xi32> to vector<1x128xi32>
    %eq3A_367 = arith.cmpi eq, %slice3A_224, %eq3A_366 : vector<1x128xi32>
    %jit3A_368 = arith.constant 0 : i32
    %broadcast_in_dim3A_369 = vector.broadcast %jit3A_368 : i32 to vector<1x128xi32>
    %select_n3A_370 = arith.select %eq3A_367, %sub3A_359, %broadcast_in_dim3A_369 : vector<1x128xi1>, vector<1x128xi32>
    %reduce_sum3A_371 = arith.constant dense<0> : vector<1xi32>
    %reduce_sum3A_372 = vector.multi_reduction <add>, %select_n3A_370, %reduce_sum3A_371 [1] : vector<1x128xi32> to vector<1xi32>
    %broadcast_in_dim3A_373 = vector.shape_cast %reduce_sum3A_372 : vector<1xi32> to vector<1x1xi32>
    %eq3A_374 = arith.constant 1 : i32
    %eq3A_375 = vector.broadcast %eq3A_374 : i32 to vector<1x128xi32>
    %eq3A_376 = arith.cmpi eq, %convert_element_type3A_362, %eq3A_375 : vector<1x128xi32>
    %broadcast_in_dim3A_377 = vector.shape_cast %broadcast_in_dim3A_373 : vector<1x1xi32> to vector<1x1xi32>
    %broadcast_in_dim3A_378 = vector.broadcast %broadcast_in_dim3A_377 : vector<1x1xi32> to vector<1x128xi32>
    %select_n3A_379 = arith.select %eq3A_376, %sub3A_359, %broadcast_in_dim3A_378 : vector<1x128xi1>, vector<1x128xi32>
    %eq3A_380 = arith.constant 1 : i32
    %eq3A_381 = vector.broadcast %eq3A_380 : i32 to vector<1x128xi32>
    %eq3A_382 = arith.cmpi eq, %convert_element_type3A_362, %eq3A_381 : vector<1x128xi32>
    %sub3A_383 = arith.constant 1 : i32
    %sub3A_384 = vector.broadcast %sub3A_383 : i32 to vector<1x1xi32>
    %sub3A_385 = arith.subi %broadcast_in_dim3A_227, %sub3A_384 : vector<1x1xi32>
    %broadcast_in_dim3A_386 = vector.shape_cast %sub3A_385 : vector<1x1xi32> to vector<1x1xi32>
    %broadcast_in_dim3A_387 = vector.broadcast %broadcast_in_dim3A_386 : vector<1x1xi32> to vector<1x128xi32>
    %select_n3A_388 = arith.select %eq3A_382, %slice3A_224, %broadcast_in_dim3A_387 : vector<1x128xi1>, vector<1x128xi32>
    %iota3A_389 = tpu.iota {dimensions = array<i32: 0>} : vector<8x128xi32>
    %eq3A_390 = arith.constant 0 : i32
    %eq3A_391 = vector.broadcast %eq3A_390 : i32 to vector<8x128xi32>
    %eq3A_392 = arith.cmpi eq, %iota3A_389, %eq3A_391 : vector<8x128xi32>
    %eq3A_393 = arith.constant 1 : i32
    %eq3A_394 = vector.broadcast %eq3A_393 : i32 to vector<8x128xi32>
    %eq3A_395 = arith.cmpi eq, %iota3A_389, %eq3A_394 : vector<8x128xi32>
    %broadcast_in_dim3A_396 = vector.shape_cast %convert_element_type3A_362 : vector<1x128xi32> to vector<1x128xi32>
    %broadcast_in_dim3A_397 = vector.broadcast %broadcast_in_dim3A_396 : vector<1x128xi32> to vector<8x128xi32>
    %broadcast_in_dim3A_398 = vector.shape_cast %select_n3A_388 : vector<1x128xi32> to vector<1x128xi32>
    %broadcast_in_dim3A_399 = vector.broadcast %broadcast_in_dim3A_398 : vector<1x128xi32> to vector<8x128xi32>
    %select_n3A_400 = arith.select %eq3A_395, %broadcast_in_dim3A_397, %broadcast_in_dim3A_399 : vector<8x128xi1>, vector<8x128xi32>
    %broadcast_in_dim3A_401 = vector.shape_cast %select_n3A_379 : vector<1x128xi32> to vector<1x128xi32>
    %broadcast_in_dim3A_402 = vector.broadcast %broadcast_in_dim3A_401 : vector<1x128xi32> to vector<8x128xi32>
    %select_n3A_403 = arith.select %eq3A_392, %broadcast_in_dim3A_402, %select_n3A_400 : vector<8x128xi1>, vector<8x128xi32>
    %swap3A_404 = arith.constant 0 : index
    %swap3A_405 = arith.constant 0 : index
    %swap3A_406 = vector.load %arg6[%swap3A_404, %swap3A_405] : memref<8x128xi32, #tpu.memory_space<vmem>>, vector<8x128xi32>
    tpu.vector_store %arg6[%swap3A_404, %swap3A_405], %select_n3A_403 {strides = array<i32>} : memref<8x128xi32, #tpu.memory_space<vmem>>, vector<8x128xi32>,
    return
  }
}

module attributes {stable_mosaic.version = 14 : i64} {
  func.func @_ffn_kernel(%arg0: i32, %arg1: i32, %arg2: memref<12xi32, #tpu.memory_space<smem>>, %arg3: memref<12xi32, #tpu.memory_space<smem>>, %arg4: memref<12xi32, #tpu.memory_space<smem>>, %arg5: memref<1024x512xi32, #tpu.memory_space<vmem>>, %arg6: memref<1x1024x512xf32, #tpu.memory_space<vmem>>, %arg7: memref<1x1024x512xf32, #tpu.memory_space<vmem>>, %arg8: memref<1x512x1024xf32, #tpu.memory_space<vmem>>, %arg9: memref<1024x512xi32, #tpu.memory_space<vmem>>, %arg10: memref<1024x1024xbf16, #tpu.memory_space<vmem>>, %arg11: memref<1024x1024xf32, #tpu.memory_space<vmem>>) attributes {dimension_semantics = [#tpu.dimension_semantics<arbitrary>, #tpu.dimension_semantics<arbitrary>], iteration_bounds = array<i64: 12, 7>, scalar_prefetch = 3 : i64, scratch_operands = 2 : i64, tpu.core_type = #tpu.core_type<tc>, window_params = [{transform_indices = @transform_0, window_bounds = array<i64: 1024, 512>}, {transform_indices = @transform_1, window_bounds = array<i64: 1, 1024, 512>}, {transform_indices = @transform_2, window_bounds = array<i64: 1, 1024, 512>}, {transform_indices = @transform_3, window_bounds = array<i64: 1, 512, 1024>}, {transform_indices = @transform_4, window_bounds = array<i64: 1024, 512>}]} {
    %get3A = arith.index_cast %arg0 : i32 to index
    %get3A_0 = memref.load %arg3[%get3A] : memref<12xi32, #tpu.memory_space<smem>>
    %eq3A = arith.constant 1 : i32
    %eq3A_1 = arith.cmpi eq, %get3A_0, %eq3A : i32
    %convert_element_type3A = arith.extui %eq3A_1 : i1 to i32
    %cond3A = arith.constant 0 : i32
    %cond3A_2 = arith.cmpi ne, %convert_element_type3A, %cond3A : i32
    scf.if %cond3A_2 {
      %eq3A_3 = arith.constant 0 : i32
      %eq3A_4 = arith.cmpi eq, %arg1, %eq3A_3 : i32
      %convert_element_type3A_5 = arith.extui %eq3A_4 : i1 to i32
      %cond3A_6 = arith.constant 0 : i32
      %cond3A_7 = arith.cmpi ne, %convert_element_type3A_5, %cond3A_6 : i32
      scf.if %cond3A_7 {
        %get3A_56 = arith.constant 0 : index
        %get3A_57 = arith.constant 0 : index
        %get3A_58 = vector.load %arg5[%get3A_56, %get3A_57] : memref<1024x512xi32, #tpu.memory_space<vmem>>, vector<1024x512xi32>
        %shift_left3A = arith.constant 16 : i32
        %shift_left3A_59 = vector.broadcast %shift_left3A : i32 to vector<1024x512xi32>
        %shift_left3A_60 = arith.shli %get3A_58, %shift_left3A_59 : vector<1024x512xi32>
        %bitcast_convert_type3A = tpu.bitcast %shift_left3A_60 : vector<1024x512xi32> -> vector<1024x512xf32>
        %and3A_61 = arith.constant -65536 : i32
        %and3A_62 = vector.broadcast %and3A_61 : i32 to vector<1024x512xi32>
        %and3A_63 = arith.andi %get3A_58, %and3A_62 : vector<1024x512xi32>
        %bitcast_convert_type3A_64 = tpu.bitcast %and3A_63 : vector<1024x512xi32> -> vector<1024x512xf32>
        %concatenate3A = tpu.concatenate %bitcast_convert_type3A, %bitcast_convert_type3A_64 in 1 : vector<1024x512xf32>, vector<1024x512xf32> -> vector<1024x1024xf32>
        %convert_element_type3A_65 = arith.truncf %concatenate3A : vector<1024x1024xf32> to vector<1024x1024xbf16>
        %swap3A = arith.constant 0 : index
        %swap3A_66 = arith.constant 0 : index
        %swap3A_67 = vector.load %arg10[%swap3A, %swap3A_66] : memref<1024x1024xbf16, #tpu.memory_space<vmem>>, vector<1024x1024xbf16>
        tpu.vector_store %arg10[%swap3A, %swap3A_66], %convert_element_type3A_65 {strides = array<i32>} : memref<1024x1024xbf16, #tpu.memory_space<vmem>>, vector<1024x1024xbf16>,
      } else {
      }
      %get3A_8 = arith.constant 0 : index
      %get3A_9 = arith.constant 0 : index
      %get3A_10 = vector.load %arg10[%get3A_8, %get3A_9] : memref<1024x1024xbf16, #tpu.memory_space<vmem>>, vector<1024x1024xbf16>
      %get3A_11 = arith.constant 0 : index
      %get3A_12 = arith.constant 0 : index
      %get3A_13 = arith.constant 0 : index
      %get3A_14 = vector.load %arg6[%get3A_11, %get3A_12, %get3A_13] : memref<1x1024x512xf32, #tpu.memory_space<vmem>>, vector<1x1024x512xf32>
      %get3A_15 = vector.shape_cast %get3A_14 : vector<1x1024x512xf32> to vector<1024x512xf32>
      %convert_element_type3A_16 = arith.truncf %get3A_15 : vector<1024x512xf32> to vector<1024x512xbf16>
      %dot_general3A = arith.constant dense<0.000000e+00> : vector<1024x512xf32>
      %dot_general3A_17 = tpu.matmul %get3A_10, %convert_element_type3A_16, %dot_general3A {dimension_numbers = #tpu.dot_dimension_numbers<[1], [0], [0], [1], [0, 0, 1, 1], [], []>, transpose_lhs_hint = false} : vector<1024x1024xbf16>, vector<1024x512xbf16>, vector<1024x512xf32> -> vector<1024x512xf32>
      %get3A_18 = arith.constant 0 : index
      %get3A_19 = arith.constant 0 : index
      %get3A_20 = arith.constant 0 : index
      %get3A_21 = vector.load %arg7[%get3A_18, %get3A_19, %get3A_20] : memref<1x1024x512xf32, #tpu.memory_space<vmem>>, vector<1x1024x512xf32>
      %get3A_22 = vector.shape_cast %get3A_21 : vector<1x1024x512xf32> to vector<1024x512xf32>
      %convert_element_type3A_23 = arith.truncf %get3A_22 : vector<1024x512xf32> to vector<1024x512xbf16>
      %dot_general3A_24 = arith.constant dense<0.000000e+00> : vector<1024x512xf32>
      %dot_general3A_25 = tpu.matmul %get3A_10, %convert_element_type3A_23, %dot_general3A_24 {dimension_numbers = #tpu.dot_dimension_numbers<[1], [0], [0], [1], [0, 0, 1, 1], [], []>, transpose_lhs_hint = false} : vector<1024x1024xbf16>, vector<1024x512xbf16>, vector<1024x512xf32> -> vector<1024x512xf32>
      %logistic3A = arith.negf %dot_general3A_17 : vector<1024x512xf32>
      %logistic3A_26 = math.exp %logistic3A : vector<1024x512xf32>
      %logistic3A_27 = arith.constant 1.000000e+00 : f32
      %logistic3A_28 = vector.broadcast %logistic3A_27 : f32 to vector<1024x512xf32>
      %logistic3A_29 = arith.addf %logistic3A_28, %logistic3A_26 : vector<1024x512xf32>
      %logistic3A_30 = arith.divf %logistic3A_28, %logistic3A_29 : vector<1024x512xf32>
      %mul3A = arith.mulf %dot_general3A_17, %logistic3A_30 : vector<1024x512xf32>
      %mul3A_31 = arith.mulf %mul3A, %dot_general3A_25 : vector<1024x512xf32>
      %convert_element_type3A_32 = arith.truncf %mul3A_31 : vector<1024x512xf32> to vector<1024x512xbf16>
      %get3A_33 = arith.constant 0 : index
      %get3A_34 = arith.constant 0 : index
      %get3A_35 = arith.constant 0 : index
      %get3A_36 = vector.load %arg8[%get3A_33, %get3A_34, %get3A_35] : memref<1x512x1024xf32, #tpu.memory_space<vmem>>, vector<1x512x1024xf32>
      %get3A_37 = vector.shape_cast %get3A_36 : vector<1x512x1024xf32> to vector<512x1024xf32>
      %convert_element_type3A_38 = arith.truncf %get3A_37 : vector<512x1024xf32> to vector<512x1024xbf16>
      %dot_general3A_39 = arith.constant dense<0.000000e+00> : vector<1024x1024xf32>
      %dot_general3A_40 = tpu.matmul %convert_element_type3A_32, %convert_element_type3A_38, %dot_general3A_39 {dimension_numbers = #tpu.dot_dimension_numbers<[1], [0], [0], [1], [0, 0, 1, 1], [], []>, transpose_lhs_hint = false} : vector<1024x512xbf16>, vector<512x1024xbf16>, vector<1024x1024xf32> -> vector<1024x1024xf32>
      %eq3A_41 = arith.constant 0 : i32
      %eq3A_42 = arith.cmpi eq, %arg1, %eq3A_41 : i32
      %convert_element_type3A_43 = arith.extui %eq3A_42 : i1 to i32
      %cond3A_44 = arith.constant 0 : i32
      %cond3A_45 = arith.cmpi ne, %convert_element_type3A_43, %cond3A_44 : i32
      scf.if %cond3A_45 {
        %swap3A = arith.constant 0 : index
        %swap3A_56 = arith.constant 0 : index
        %swap3A_57 = vector.load %arg11[%swap3A, %swap3A_56] : memref<1024x1024xf32, #tpu.memory_space<vmem>>, vector<1024x1024xf32>
        tpu.vector_store %arg11[%swap3A, %swap3A_56], %dot_general3A_40 {strides = array<i32>} : memref<1024x1024xf32, #tpu.memory_space<vmem>>, vector<1024x1024xf32>,
      } else {
      }
      %gt3A = arith.constant 0 : i32
      %gt3A_46 = arith.cmpi sgt, %arg1, %gt3A : i32
      %lt3A = arith.constant 6 : i32
      %lt3A_47 = arith.cmpi slt, %arg1, %lt3A : i32
      %and3A = arith.andi %gt3A_46, %lt3A_47 : i1
      %convert_element_type3A_48 = arith.extui %and3A : i1 to i32
      %cond3A_49 = arith.constant 0 : i32
      %cond3A_50 = arith.cmpi ne, %convert_element_type3A_48, %cond3A_49 : i32
      scf.if %cond3A_50 {
        %get3A_56 = arith.constant 0 : index
        %get3A_57 = arith.constant 0 : index
        %get3A_58 = vector.load %arg11[%get3A_56, %get3A_57] : memref<1024x1024xf32, #tpu.memory_space<vmem>>, vector<1024x1024xf32>
        %add3A = arith.addf %get3A_58, %dot_general3A_40 : vector<1024x1024xf32>
        %swap3A = arith.constant 0 : index
        %swap3A_59 = arith.constant 0 : index
        %swap3A_60 = vector.load %arg11[%swap3A, %swap3A_59] : memref<1024x1024xf32, #tpu.memory_space<vmem>>, vector<1024x1024xf32>
        tpu.vector_store %arg11[%swap3A, %swap3A_59], %add3A {strides = array<i32>} : memref<1024x1024xf32, #tpu.memory_space<vmem>>, vector<1024x1024xf32>,
      } else {
      }
      %eq3A_51 = arith.constant 6 : i32
      %eq3A_52 = arith.cmpi eq, %arg1, %eq3A_51 : i32
      %convert_element_type3A_53 = arith.extui %eq3A_52 : i1 to i32
      %cond3A_54 = arith.constant 0 : i32
      %cond3A_55 = arith.cmpi ne, %convert_element_type3A_53, %cond3A_54 : i32
      scf.if %cond3A_55 {
        %get3A_56 = arith.constant 0 : index
        %get3A_57 = arith.constant 0 : index
        %get3A_58 = vector.load %arg11[%get3A_56, %get3A_57] : memref<1024x1024xf32, #tpu.memory_space<vmem>>, vector<1024x1024xf32>
        %add3A = arith.addf %get3A_58, %dot_general3A_40 : vector<1024x1024xf32>
        %slice3A = vector.extract_strided_slice %add3A {offsets = [0, 0], sizes = [1024, 512], strides = [1, 1]} : vector<1024x1024xf32> to vector<1024x512xf32>
        %slice3A_59 = vector.extract_strided_slice %add3A {offsets = [0, 512], sizes = [1024, 512], strides = [1, 1]} : vector<1024x1024xf32> to vector<1024x512xf32>
        %convert_element_type3A_60 = arith.truncf %slice3A : vector<1024x512xf32> to vector<1024x512xbf16>
        %convert_element_type3A_61 = arith.extf %convert_element_type3A_60 : vector<1024x512xbf16> to vector<1024x512xf32>
        %bitcast_convert_type3A = tpu.bitcast %convert_element_type3A_61 : vector<1024x512xf32> -> vector<1024x512xi32>
        %convert_element_type3A_62 = arith.truncf %slice3A_59 : vector<1024x512xf32> to vector<1024x512xbf16>
        %convert_element_type3A_63 = arith.extf %convert_element_type3A_62 : vector<1024x512xbf16> to vector<1024x512xf32>
        %bitcast_convert_type3A_64 = tpu.bitcast %convert_element_type3A_63 : vector<1024x512xf32> -> vector<1024x512xi32>
        %and3A_65 = arith.constant -65536 : i32
        %and3A_66 = vector.broadcast %and3A_65 : i32 to vector<1024x512xi32>
        %and3A_67 = arith.andi %bitcast_convert_type3A_64, %and3A_66 : vector<1024x512xi32>
        %shift_right_logical3A = arith.constant 16 : i32
        %shift_right_logical3A_68 = vector.broadcast %shift_right_logical3A : i32 to vector<1024x512xi32>
        %shift_right_logical3A_69 = arith.shrui %bitcast_convert_type3A, %shift_right_logical3A_68 : vector<1024x512xi32>
        %or3A = arith.ori %and3A_67, %shift_right_logical3A_69 : vector<1024x512xi32>
        %swap3A = arith.constant 0 : index
        %swap3A_70 = arith.constant 0 : index
        %swap3A_71 = vector.load %arg9[%swap3A, %swap3A_70] : memref<1024x512xi32, #tpu.memory_space<vmem>>, vector<1024x512xi32>
        tpu.vector_store %arg9[%swap3A, %swap3A_70], %or3A {strides = array<i32>} : memref<1024x512xi32, #tpu.memory_space<vmem>>, vector<1024x512xi32>,
      } else {
      }
    } else {
    }
    return
  }
  func.func @transform_0(%arg0: i32, %arg1: i32, %arg2: memref<12xi32, #tpu.memory_space<smem>>, %arg3: memref<12xi32, #tpu.memory_space<smem>>, %arg4: memref<12xi32, #tpu.memory_space<smem>>) -> (i32, i32) {
    %get3A = arith.index_cast %arg0 : i32 to index
    %get3A_0 = memref.load %arg3[%get3A] : memref<12xi32, #tpu.memory_space<smem>>
    %eq3A = arith.constant 1 : i32
    %eq3A_1 = arith.cmpi eq, %get3A_0, %eq3A : i32
    %jit3A = arith.constant 0 : i32
    %select_n3A = arith.select %eq3A_1, %arg0, %jit3A : i32
    %c0_i32 = arith.constant 0 : i32
    %c0_i32_2 = arith.constant 0 : i32
    return %select_n3A, %c0_i32 : i32, i32
  }
  func.func @transform_1(%arg0: i32, %arg1: i32, %arg2: memref<12xi32, #tpu.memory_space<smem>>, %arg3: memref<12xi32, #tpu.memory_space<smem>>, %arg4: memref<12xi32, #tpu.memory_space<smem>>) -> (i32, i32, i32) {
    %get3A = arith.index_cast %arg0 : i32 to index
    %get3A_0 = memref.load %arg2[%get3A] : memref<12xi32, #tpu.memory_space<smem>>
    %get3A_1 = arith.index_cast %arg0 : i32 to index
    %get3A_2 = memref.load %arg3[%get3A_1] : memref<12xi32, #tpu.memory_space<smem>>
    %eq3A = arith.constant 1 : i32
    %eq3A_3 = arith.cmpi eq, %get3A_2, %eq3A : i32
    %jit3A = arith.constant 6 : i32
    %select_n3A = arith.select %eq3A_3, %arg1, %jit3A : i32
    %c0_i32 = arith.constant 0 : i32
    %c0_i32_4 = arith.constant 0 : i32
    return %get3A_0, %c0_i32, %select_n3A : i32, i32, i32
  }
  func.func @transform_2(%arg0: i32, %arg1: i32, %arg2: memref<12xi32, #tpu.memory_space<smem>>, %arg3: memref<12xi32, #tpu.memory_space<smem>>, %arg4: memref<12xi32, #tpu.memory_space<smem>>) -> (i32, i32, i32) {
    %get3A = arith.index_cast %arg0 : i32 to index
    %get3A_0 = memref.load %arg2[%get3A] : memref<12xi32, #tpu.memory_space<smem>>
    %get3A_1 = arith.index_cast %arg0 : i32 to index
    %get3A_2 = memref.load %arg3[%get3A_1] : memref<12xi32, #tpu.memory_space<smem>>
    %eq3A = arith.constant 1 : i32
    %eq3A_3 = arith.cmpi eq, %get3A_2, %eq3A : i32
    %jit3A = arith.constant 6 : i32
    %select_n3A = arith.select %eq3A_3, %arg1, %jit3A : i32
    %c0_i32 = arith.constant 0 : i32
    %c0_i32_4 = arith.constant 0 : i32
    return %get3A_0, %c0_i32, %select_n3A : i32, i32, i32
  }
  func.func @transform_3(%arg0: i32, %arg1: i32, %arg2: memref<12xi32, #tpu.memory_space<smem>>, %arg3: memref<12xi32, #tpu.memory_space<smem>>, %arg4: memref<12xi32, #tpu.memory_space<smem>>) -> (i32, i32, i32) {
    %get3A = arith.index_cast %arg0 : i32 to index
    %get3A_0 = memref.load %arg2[%get3A] : memref<12xi32, #tpu.memory_space<smem>>
    %get3A_1 = arith.index_cast %arg0 : i32 to index
    %get3A_2 = memref.load %arg3[%get3A_1] : memref<12xi32, #tpu.memory_space<smem>>
    %eq3A = arith.constant 1 : i32
    %eq3A_3 = arith.cmpi eq, %get3A_2, %eq3A : i32
    %jit3A = arith.constant 6 : i32
    %select_n3A = arith.select %eq3A_3, %arg1, %jit3A : i32
    %c0_i32 = arith.constant 0 : i32
    %c0_i32_4 = arith.constant 0 : i32
    return %get3A_0, %select_n3A, %c0_i32 : i32, i32, i32
  }
  func.func @transform_4(%arg0: i32, %arg1: i32, %arg2: memref<12xi32, #tpu.memory_space<smem>>, %arg3: memref<12xi32, #tpu.memory_space<smem>>, %arg4: memref<12xi32, #tpu.memory_space<smem>>) -> (i32, i32) {
    %get3A = arith.index_cast %arg0 : i32 to index
    %get3A_0 = memref.load %arg4[%get3A] : memref<12xi32, #tpu.memory_space<smem>>
    %c0_i32 = arith.constant 0 : i32
    %c0_i32_1 = arith.constant 0 : i32
    return %get3A_0, %c0_i32 : i32, i32
  }
}

module attributes {stable_mosaic.version = 14 : i64} {
  func.func @_combine_kernel(%arg0: i32, %arg1: memref<256x1024xf32, #tpu.memory_space<vmem>>, %arg2: memref<2x256x512xi32, #tpu.memory_space<vmem>>, %arg3: memref<256x128xf32, #tpu.memory_space<vmem>>, %arg4: memref<256x1024xf32, #tpu.memory_space<vmem>>) attributes {dimension_semantics = [#tpu.dimension_semantics<arbitrary>], iteration_bounds = array<i64: 8>, scalar_prefetch = 0 : i64, scratch_operands = 0 : i64, tpu.core_type = #tpu.core_type<tc>, window_params = [{transform_indices = @transform_0, window_bounds = array<i64: 256, 1024>}, {transform_indices = @transform_1, window_bounds = array<i64: 2, 256, 512>}, {transform_indices = @transform_2, window_bounds = array<i64: 256, 128>}, {transform_indices = @transform_3, window_bounds = array<i64: 256, 1024>}]} {
    %get3A = arith.constant 0 : index
    %get3A_0 = arith.constant 0 : index
    %get3A_1 = vector.load %arg3[%get3A, %get3A_0] : memref<256x128xf32, #tpu.memory_space<vmem>>, vector<256x1xf32>
    %get3A_2 = arith.constant 0 : index
    %get3A_3 = arith.constant 1 : index
    %get3A_4 = vector.load %arg3[%get3A_2, %get3A_3] : memref<256x128xf32, #tpu.memory_space<vmem>>, vector<256x1xf32>
    %get3A_5 = arith.constant 0 : index
    %get3A_6 = arith.constant 0 : index
    %get3A_7 = arith.constant 0 : index
    %get3A_8 = vector.load %arg2[%get3A_5, %get3A_6, %get3A_7] : memref<2x256x512xi32, #tpu.memory_space<vmem>>, vector<1x256x512xi32>
    %get3A_9 = vector.shape_cast %get3A_8 : vector<1x256x512xi32> to vector<256x512xi32>
    %shift_left3A = arith.constant 16 : i32
    %shift_left3A_10 = vector.broadcast %shift_left3A : i32 to vector<256x512xi32>
    %shift_left3A_11 = arith.shli %get3A_9, %shift_left3A_10 : vector<256x512xi32>
    %bitcast_convert_type3A = tpu.bitcast %shift_left3A_11 : vector<256x512xi32> -> vector<256x512xf32>
    %and3A = arith.constant -65536 : i32
    %and3A_12 = vector.broadcast %and3A : i32 to vector<256x512xi32>
    %and3A_13 = arith.andi %get3A_9, %and3A_12 : vector<256x512xi32>
    %bitcast_convert_type3A_14 = tpu.bitcast %and3A_13 : vector<256x512xi32> -> vector<256x512xf32>
    %get3A_15 = arith.constant 1 : index
    %get3A_16 = arith.constant 0 : index
    %get3A_17 = arith.constant 0 : index
    %get3A_18 = vector.load %arg2[%get3A_15, %get3A_16, %get3A_17] : memref<2x256x512xi32, #tpu.memory_space<vmem>>, vector<1x256x512xi32>
    %get3A_19 = vector.shape_cast %get3A_18 : vector<1x256x512xi32> to vector<256x512xi32>
    %shift_left3A_20 = arith.constant 16 : i32
    %shift_left3A_21 = vector.broadcast %shift_left3A_20 : i32 to vector<256x512xi32>
    %shift_left3A_22 = arith.shli %get3A_19, %shift_left3A_21 : vector<256x512xi32>
    %bitcast_convert_type3A_23 = tpu.bitcast %shift_left3A_22 : vector<256x512xi32> -> vector<256x512xf32>
    %and3A_24 = arith.constant -65536 : i32
    %and3A_25 = vector.broadcast %and3A_24 : i32 to vector<256x512xi32>
    %and3A_26 = arith.andi %get3A_19, %and3A_25 : vector<256x512xi32>
    %bitcast_convert_type3A_27 = tpu.bitcast %and3A_26 : vector<256x512xi32> -> vector<256x512xf32>
    %concatenate3A = tpu.concatenate %bitcast_convert_type3A, %bitcast_convert_type3A_14 in 1 : vector<256x512xf32>, vector<256x512xf32> -> vector<256x1024xf32>
    %concatenate3A_28 = tpu.concatenate %bitcast_convert_type3A_23, %bitcast_convert_type3A_27 in 1 : vector<256x512xf32>, vector<256x512xf32> -> vector<256x1024xf32>
    %get3A_29 = arith.constant 0 : index
    %get3A_30 = arith.constant 0 : index
    %get3A_31 = vector.load %arg1[%get3A_29, %get3A_30] : memref<256x1024xf32, #tpu.memory_space<vmem>>, vector<256x1024xf32>
    %mul3A = vector.broadcast %get3A_1 : vector<256x1xf32> to vector<256x1024xf32>
    %mul3A_32 = arith.mulf %mul3A, %concatenate3A : vector<256x1024xf32>
    %add3A = arith.addf %get3A_31, %mul3A_32 : vector<256x1024xf32>
    %mul3A_33 = vector.broadcast %get3A_4 : vector<256x1xf32> to vector<256x1024xf32>
    %mul3A_34 = arith.mulf %mul3A_33, %concatenate3A_28 : vector<256x1024xf32>
    %add3A_35 = arith.addf %add3A, %mul3A_34 : vector<256x1024xf32>
    %swap3A = arith.constant 0 : index
    %swap3A_36 = arith.constant 0 : index
    %swap3A_37 = vector.load %arg4[%swap3A, %swap3A_36] : memref<256x1024xf32, #tpu.memory_space<vmem>>, vector<256x1024xf32>
    tpu.vector_store %arg4[%swap3A, %swap3A_36], %add3A_35 {strides = array<i32>} : memref<256x1024xf32, #tpu.memory_space<vmem>>, vector<256x1024xf32>,
    return
  }
  func.func @transform_0(%arg0: i32) -> (i32, i32) {
    %c0_i32 = arith.constant 0 : i32
    %c0_i32_0 = arith.constant 0 : i32
    return %arg0, %c0_i32 : i32, i32
  }
  func.func @transform_1(%arg0: i32) -> (i32, i32, i32) {
    %c0_i32 = arith.constant 0 : i32
    %c0_i32_0 = arith.constant 0 : i32
    %c0_i32_1 = arith.constant 0 : i32
    return %c0_i32, %arg0, %c0_i32_0 : i32, i32, i32
  }
  func.func @transform_2(%arg0: i32) -> (i32, i32) {
    %c0_i32 = arith.constant 0 : i32
    %c0_i32_0 = arith.constant 0 : i32
    return %arg0, %c0_i32 : i32, i32
  }
  func.func @transform_3(%arg0: i32) -> (i32, i32) {
    %c0_i32 = arith.constant 0 : i32
    %c0_i32_0 = arith.constant 0 : i32
    return %arg0, %c0_i32 : i32, i32
  }
}

</mosaic_0001>

<sc_bundles>
// kernel: kernel.10.cloned.1.call-start
scs
__scs_entry_jumppad:
0x0: {  	(pc) =	sbr.rel $0x88, $3  }
0x1: {  	(tag) =	ssettag $0x0;
	lr =	simm.s32 $0x1  }
0x2: {  	[smem:$0x3F9B] =	sst lr;
	_ =	strace $0xD0000000  }
0x3: {  	_ = 	snop  }
0x4: {  	_ = 	snop  }
0x5: {  	_ = 	snop  }
0x6: {  	_ = 	snop  }
0x7: {  	_ = 	snop  }
__scs_overlays_trampoline_lowered:
0x8: {  	[smem:$0x3FAA] =	sst s0  }
0x9: {  	[smem:$0x3FAB] =	sst s1  }
0xa: {  	[smem:$0x3FAC] =	sst s2  }
0xb: {  	[smem:$0x3FAD] =	sst s3  }
0xc: {  	[smem:$0x3FAE] =	sst s4  }
0xd: {  	[smem:$0x3FAF] =	sst s5  }
0xe: {  	[smem:$0x3FB0] =	sst s6  }
0xf: {  	[smem:$0x3FB1] =	sst s7  }
0x10: {  	[smem:$0x3FB2] =	sst s8  }
0x11: {  	[smem:$0x3FB3] =	sst s9;
	s0 =	simm.s32 @!p0 $0x0  }
0x12: {  	s1 =	sld [smem:$0x3F99];
	s0 =	simm.s32 @p0 $0x1  }
0x13: {  	[smem:$0x3FB4] =	sst s0;
	s0 =	simm.s32 @!p1 $0x0  }
0x14: {  	s2 =	sld [smem:$0x3F98];
	s0 =	simm.s32 @p1 $0x1  }
0x15: {  	[smem:$0x3FB5] =	sst s0;
	s0 =	simm.s32 @!p2 $0x0  }
0x16: {  	s3 =	sld [smem:$0x3FDB];
	s0 =	simm.s32 @p2 $0x1  }
0x17: {  	s4 =	simm.s32 $0x1BF5;
	[smem:$0x3FB7] =	sst s0  }
0x18: {  	s0 =	sld [smem:$0x3F9A];
	_ =	swait.ge [sflag:s4], $0x0  }
0x19: {  	s7 =	sld [smem:$0x3F9B]  }
0x1a: {  	s8 =	sadd.s32 $0xFFFFE003, lr  }
0x1b: {  	s9 =	sadd.s32 $0xFFFFFEF7, lr;
	s5 =	simm.s32 $0xFFFFFFFF;
	p2 =	slt.u32 s8, $0xFFFFF086  }
0x1c: {  	p1 =	slt.u32 s9, $0xF7A;
	s5 =	simm.s32 @!p2 $0x0  }
0x1d: {  	s5 =	simm.s32 @p1 $0x1;
	p0 =	seq.s32 s7, s2  }
0x1e: {  	s7 =	smul.u32 @!p0 $0xF7A, s2;
	p2 =	seq.s32 @!p0 s5, $0x0  }
0x1f: {  	s9 =	smul.u32 $0xF7A, s1;
	s8 =	simm.s32 @!p0 $0x1BF5;
	p2 =	por !p2, p0  }
0x20: {  	[sflag:s8] =	ssyncset.s32 @!p0 $0xFFFFF086;
	s6 =	sadd.s32 @!p0 s3, s7;
	s7 =	simm.s32 @!p0 $0x108  }
0x21: {  	s3 =	sadd.s32 s3, s9;
	s6 =	sadd.s32 @!p0 $0x88, s6;
	s7 =	simm.s32 @p2 $0x1082  }
0x22: {  	[simem:s7], [sflag:s8] =	dma.local @!p0 [hbm:s6], $0xF7A  }
0x23: {  	s9 =	sor.u32 $0xD0000000, s2;
	s6 =	simm.s32 $0x108;
	_ =	swait.ge @!p0 [sflag:s8], $0x0  }
0x24: {  	s3 =	sadd.s32 $0x88, s3;
	s6 =	simm.s32 @!p1 $0x1082;
	[sflag:s4] =	ssyncset.s32 $0xFFFFF086  }
0x25: {  	[simem:s6], [sflag:s4] =	dma.local [hbm:s3], $0xF7A  }
0x26: {  	[smem:$0x3F9B] =	sst s1;
	(tag) =	ssettag s2;
	_ =	strace s9  }
0x27: {  	s1 =	sld [smem:$0x3FAB]  }
0x28: {  	s2 =	sld [smem:$0x3FAC]  }
0x29: {  	s4 =	sld [smem:$0x3FAE]  }
0x2a: {  	p0 =	seq.s32 s5, $0x0;
	s5 =	sld [smem:$0x3FAF]  }
0x2b: {  	s6 =	sld [smem:$0x3FB0]  }
0x2c: {  	s7 =	sld [smem:$0x3FB1]  }
0x2d: {  	s3 =	simm.s32 $0x108;
	s8 =	sld [smem:$0x3FB2]  }
0x2e: {  	s3 =	simm.s32 @!p0 $0x1082;
	s9 =	sld [smem:$0x3FB3]  }
0x2f: {  	lr =	sadd.s32 s0, s3;
	s0 =	sld [smem:$0x3FAA]  }
0x30: {  	s3 =	sld [smem:$0x3FAD]  }
0x31: {  	[smem:$0x3FB6] =	sst s10  }
0x32: {  	s10 =	sld [smem:$0x3FB4];
	_ =	sdelay $0x3  }
0x33: {  	p0 =	seq.s32 s10, $0x1;
	s10 =	sld [smem:$0x3FB6];
	_ =	sdelay $0x3  }
0x34: {  	[smem:$0x3FB6] =	sst s10  }
0x35: {  	s10 =	sld [smem:$0x3FB5];
	_ =	sdelay $0x3  }
0x36: {  	p1 =	seq.s32 s10, $0x1;
	s10 =	sld [smem:$0x3FB6];
	_ =	sdelay $0x3  }
0x37: {  	[smem:$0x3FB6] =	sst s10  }
0x38: {  	s10 =	sld [smem:$0x3FB7]  }
0x39: {  	_ = 	snop;
	(pc) =	sbr.ind lr, $3  }
0x3a: {  	_ = 	snop  }
0x3b: {  	_ = 	snop  }
0x3c: {  	p2 =	seq.s32 s10, $0x1;
	s10 =	sld [smem:$0x3FB6]  }
0x3d: {  	_ =	shalt  }
0x3e: {  	_ =	shalt  }
0x3f: {  	_ =	shalt  }
0x40: {  	_ =	shalt  }
0x41: {  	_ =	shalt  }
0x42: {  	_ =	shalt  }
0x43: {  	_ =	shalt  }
0x44: {  	_ =	shalt  }
0x45: {  	_ =	shalt  }
0x46: {  	_ =	shalt  }
0x47: {  	_ =	shalt  }
0x48: {  	_ =	shalt  }
0x49: {  	_ =	shalt  }
0x4a: {  	_ =	shalt  }
0x4b: {  	_ =	shalt  }
0x4c: {  	_ =	shalt  }
0x4d: {  	_ =	shalt  }
0x4e: {  	_ =	shalt  }
0x4f: {  	_ =	shalt  }
0x50: {  	_ =	shalt  }
0x51: {  	_ =	shalt  }
0x52: {  	_ =	shalt  }
0x53: {  	_ =	shalt  }
0x54: {  	_ =	shalt  }
0x55: {  	_ =	shalt  }
0x56: {  	_ =	shalt  }
0x57: {  	_ =	shalt  }
0x58: {  	_ =	shalt  }
0x59: {  	_ =	shalt  }
0x5a: {  	_ =	shalt  }
0x5b: {  	_ =	shalt  }
0x5c: {  	_ =	shalt  }
0x5d: {  	_ =	shalt  }
0x5e: {  	_ =	shalt  }
0x5f: {  	_ =	shalt  }
0x60: {  	_ =	shalt  }
0x61: {  	_ =	shalt  }
0x62: {  	_ =	shalt  }
0x63: {  	_ =	shalt  }
0x64: {  	_ =	shalt  }
0x65: {  	_ =	shalt  }
0x66: {  	_ =	shalt  }
0x67: {  	_ =	shalt  }
0x68: {  	_ =	shalt  }
0x69: {  	_ =	shalt  }
0x6a: {  	_ =	shalt  }
0x6b: {  	_ =	shalt  }
0x6c: {  	_ =	shalt  }
0x6d: {  	_ =	shalt  }
0x6e: {  	_ =	shalt  }
0x6f: {  	_ =	shalt  }
0x70: {  	_ =	shalt  }
0x71: {  	_ =	shalt  }
0x72: {  	_ =	shalt  }
0x73: {  	_ =	shalt  }
0x74: {  	_ =	shalt  }
0x75: {  	_ =	shalt  }
0x76: {  	_ =	shalt  }
0x77: {  	_ =	shalt  }
0x78: {  	_ =	shalt  }
0x79: {  	_ =	shalt  }
0x7a: {  	_ =	shalt  }
0x7b: {  	_ =	shalt  }
0x7c: {  	_ =	shalt  }
0x7d: {  	_ =	shalt  }
0x7e: {  	_ =	shalt  }
0x7f: {  	_ =	shalt  }
0x80: {  	_ =	shalt  }
0x81: {  	_ =	shalt  }
0x82: {  	_ =	shalt  }
0x83: {  	_ =	shalt  }
0x84: {  	_ =	shalt  }
0x85: {  	_ =	shalt  }
0x86: {  	_ =	shalt  }
0x87: {  	_ =	shalt  }
.Lfunc_end0:
.L_simem_size_0:
called_computation.1_lowered:
.L_overlay_start_0:
0x88: {  	s2 =	sld [smem:$0x3FD9]  }
0x89: {  	s3 =	sld [smem:$0x3FFE];
	_ =	sdelay $0x1  }
0x8a: {  	s1 =	srdreg.scid  }
0x8b: {  	s0 =	sand.u32 $0x1, s1  }
0x8c: {  	s17 =	sshll.u32 s0, $0xA;
	s2 =	sadd.s32 s3, s2  }
0x8d: {  	s2 =	sadd.s32 s2, s17  }
0x8e: {  	[smem:$0x3FC2] =	sst s2  }
0x8f: {  	_ = 	snop  }
0x90: {  	s2 =	sld [smem:$0x3FD0];
	(tm) =	ssettm $0x1  }
0x91: {  	s18 =	sld [smem:$0x3FFB];
	_ =	sdelay $0x3  }
0x92: {  	_ =	strace s18  }
0x93: {  	s3 =	sld [smem:$0x3FFC];
	_ =	sdelay $0x3  }
0x94: {  	_ =	strace s3  }
0x95: {  	s3 =	sld [smem:$0x3FFD];
	_ =	sdelay $0x3  }
0x96: {  	_ =	strace s3  }
0x97: {  	_ =	strace $0x8FFFFFFF  }
0x98: {  	s19 =	sld [smem:$0x3FDB];
	_ =	sdelay $0x1  }
0x99: {  	s4 =	simm.s32 $_scs_section_size  }
0x9a: {  	s5 =	simm.s32 $_size__tile_overlayer_lowered;
	s6 =	simm.s32 $_tile_overlayer_lowered  }
0x9b: {  	s22 =	simm.s32 $0x1BFF;
	s21 =	sshll.u32 s6, $0x1;
	s3 =	sadd.s32 s4, s19  }
0x9c: {  	s7 =	simm.s32 $0x0;
	s20 =	sshll.u32 s5, $0x1;
	s5 =	sadd.s32 s21, s3  }
0x9d: {  	[timem:s7], [sflag:s22] =	dma.local [hbm:s5], s20  }
0x9e: {  	_ =	swait.ge [sflag:s22], s20  }
0x9f: {  	s4 =	ssub.s32 $0x0, s20;
	[sflag:s22] =	ssyncset.done $0x0  }
0xa0: {  	[sflag:s22] =	ssyncadd.s32 s4;
	_ =	sdelay $0x1  }
0xa1: {  	s23 =	simm.s32 $0x1B8B  }
0xa2: {  	_ =	swait.ge [sflag:s23], $0x1  }
0xa3: {  	[sflag:s23] =	ssyncset.done $0x0  }
0xa4: {  	s25 =	simm.s32 $0x1B8E;
	s24 =	sld [smem:$0x3FFE];
	[sflag:s23] =	ssyncadd.s32 $0xFFFFFFFF  }
0xa5: {  	s26 =	simm.s32 $execute0_lowered;
	[smem:$0x3FD2] =	sst s25  }
0xa6: {  	s5 =	sshll.u32 s26, $0x1;
	_ =	strace $0x80000049;
	[dreg:$0x1] =	wrdreg $0xFFFFFFFF  }
0xa7: {  	s28 =	simm.s32 $_size_execute0_lowered;
	s3 =	sadd.s32 s3, s5;
	[dreg:$0x0] =	wrdreg $0x0  }
0xa8: {  	s5 =	sshll.u32 s28, $0x1;
	[dreg:$0x2] =	wrdreg s3  }
0xa9: {  	[dreg:$0x3] =	wrdreg s5  }
0xaa: {  	[dreg:$0x4] =	wrdreg $0xC0  }
0xab: {  	_ =	task [dreg:s7], $0x5FFFF  }
0xac: {  	[dreg:$0x1] =	wrdreg $0xFFFFFFFF  }
0xad: {  	[dreg:$0x0] =	wrdreg $0x60  }
0xae: {  	[dreg:$0x2] =	wrdreg s24  }
0xaf: {  	[dreg:$0x3] =	wrdreg s2  }
0xb0: {  	[dreg:$0x4] =	wrdreg $0x9  }
0xb1: {  	_ =	task.clear_ibuf [dreg:s7], $0x5FFFF;
	_ =	strace $0x90000049  }
0xb2: {  	s29 =	simm.s32 $0x9;
	_ =	strace $0x8000004B  }
0xb3: {  	_ =	swait.ge [sflag:s29], $0x1  }
0xb4: {  	[sflag:s29] =	ssyncadd.s32 $0xFFFFFFFF  }
0xb5: {  	_ =	strace $0x9000004B  }
0xb6: {  	_ =	sfence  }
0xb7: {  	s30 =	sld [smem:$0x0];
	_ =	sdelay $0x2  }
0xb8: {  	s31 =	sshll.u32 s1, $0xD;
	s1 =	sshrl.u32 s1, $0x2  }
0xb9: {  	s3 =	sand.u32 $0x4000, s31;
	s1 =	sadd.s32 s1, s30  }
0xba: {  	s0 =	sor.u32 s3, s0;
	s1 =	sshll.u32 s1, $0x11  }
0xbb: {  	s0 =	sor.u32 s1, s0  }
0xbc: {  	s0 =	sadd.s32 $0x8F2B, s0  }
0xbd: {  	[sflag:s0] =	ssyncadd.remote.s32 $0x1  }
0xbe: {  	_ =	sfence.sel $0xFFFF  }
0xbf: {  	[dreg:$0x0] =	wrdreg $0xFFFFFFFF;
	(pc) =	sbr.abs _section_cstart, $3  }
0xc0: {  	[dreg:$0x1] =	wrdreg $0xFFFFFFFF  }
0xc1: {  	_ =	task.clear_ibuf [dreg:s7], $0x2FFFF;
	_ =	strace $0x9FFFFFFF  }
0xc2: {  	(tm) =	ssettm $0x7FFFFFFF  }
0xc3: {  	_ =	shalt  }
tec
execute0_lowered:
.L_overlay_start_1:
0x0: {  	(tag) =	ssettag $0x1  }
0x1: {  	s1 =	srdreg.scid;
	s5 =	rddreg [dreg:$0x0]  }
0x2: {  	s0 =	stileid.u32;
	s4 =	rddreg [dreg:$0x1]  }
0x3: {  	s15 =	simm.s32 $0x10000;
	s16 =	simm.s32 $0x10080;
	s17 =	simm.s32 $0x800  }
0x4: {  	s18 =	simm.s32 $0x1000;
	s19 =	simm.s32 $0x1800;
	s1 =	sand.u32 $0x1, s1  }
0x5: {  	s20 =	simm.s32 $0x2000;
	s2 =	sshll.u32 s0, $0x7;
	s3 =	sshll.u32 s1, $0x6  }
0x6: {  	s21 =	simm.s32 $0x2800;
	s6 =	sor.u32 s3, s2;
	s2 =	simm.s32 $0x0  }
0x7: {  	s22 =	simm.s32 $0x3000;
	s24 =	simm.s32 $0x3800;
	[smem:$0x7FF] =	sst s2  }
0x8: {  	s25 =	simm.s32 $0x4000;
	_ =	strace $0x8000004A;
	[dreg:$0x6] =	wrdreg s15  }
0x9: {  	s26 =	simm.s32 $0x4800;
	s9 =	simm.s32 $0x5800;
	[dreg:$0x7] =	wrdreg s16  }
0xa: {  	s10 =	simm.s32 $0x6000;
	s11 =	simm.s32 $0x6800;
	[dreg:$0x8] =	wrdreg s17  }
0xb: {  	s12 =	simm.s32 $0x7000;
	s13 =	simm.s32 $0x7800;
	[dreg:$0x9] =	wrdreg s18  }
0xc: {  	s28 =	simm.s32 $0xE800;
	s29 =	simm.s32 $0xF000;
	[dreg:$0xa] =	wrdreg s19  }
0xd: {  	s30 =	simm.s32 $0xF800;
	s31 =	simm.s32 $0x1;
	[dreg:$0xb] =	wrdreg s20  }
0xe: {  	s14 =	sadd.s32 $0x9A00, s5;
	s1 =	ssub.s32 $0x2, s1;
	[dreg:$0xc] =	wrdreg s21  }
0xf: {  	s23 =	sshrl.u32 s1, $0x1;
	s7 =	sshll.u32 s6, $0x1;
	[dreg:$0xd] =	wrdreg s22  }
0x10: {  	s6 =	sshll.u32 s6, $0x6;
	s1 =	ssub.s32 s1, s23;
	[dreg:$0xe] =	wrdreg s24  }
0x11: {  	s23 =	simm.s32 $0xC800;
	s8 =	sand.u32 $0xF00, s7;
	[dreg:$0xf] =	wrdreg s25  }
0x12: {  	[dreg:$0x10] =	wrdreg s26;
	s15 =	simm.s32 $0x8800;
	s16 =	simm.s32 $0x9000  }
0x13: {  	s17 =	simm.s32 $0x9800;
	s18 =	simm.s32 $0xA000;
	s19 =	simm.s32 $0xA800  }
0x14: {  	s20 =	simm.s32 $0xB000;
	s21 =	simm.s32 $0xB800;
	s22 =	simm.s32 $0xC000  }
0x15: {  	s24 =	simm.s32 $0xD000;
	s8 =	sor.u32 s3, s8;
	s3 =	sor.u32 s3, s7  }
0x16: {  	s25 =	simm.s32 $0xD800;
	s8 =	sshrl.u32 s8, $0x3;
	s3 =	sshrl.u32 s3, $0x3  }
0x17: {  	s26 =	simm.s32 $0xE000;
	s8 =	sadd.s32 s14, s8;
	s3 =	sor.u32 $0x10, s3  }
0x18: {  	[dreg:$0x3] =	wrdreg s8;
	s7 =	sadd.s32 s14, s3;
	s3 =	sadd.s32 s4, s6  }
0x19: {  	v2 =	vlaneseq.u32;
	s6 =	smax.u32 s1, $0x1;
	s14 =	simm.s32 $0x8000;
	s1 =	simm.s32 $0x2  }
0x1a: {  	vm0 =	vmmov $0xffff;
	v1 =	vshrl.u32 v2, $0x3;
	[dreg:$0x4] =	wrdreg s7;
	s4 =	sadd.s32 $0x20000, s3;
	s7 =	simm.s32 $0x3  }
0x1b: {  	v0 =	vand.u32 $0x7, v2;
	v2 =	vor.u32 $0x8, v2;
	v1 =	vmul.u32 $0x8, v1;
	[dreg:$0x5] =	wrdreg s4;
	s4 =	sadd.s32 $0xC9C00, s5;
	s5 =	sadd.s32 $0xC9D00, s5  }
.LBB2_1:
0x1c: {  	s0 =	rddreg [dreg:$0x3]  }
0x1d: {  	s8 =	rddreg [dreg:$0x6]  }
0x1e: {  	[tilespmem:s8], [sflag:$0x3] =	stream.linear.gather [hbm4b:s0+s2], $0x40, $0x38;
	[tilespmem:$0x10100] =	vst v63  }
0x1f: {  	_ =	swait.ge [sflag:s7], $0x40  }
0x20: {  	s0 =	rddreg [dreg:$0x4];
	[sflag:s7] =	ssyncset.done $0x0  }
0x21: {  	s8 =	rddreg [dreg:$0x7];
	[sflag:s7] =	ssyncadd.s32 $0xFFFFFFC0  }
0x22: {  	[tilespmem:s8], [sflag:$0x3] =	stream.linear.gather [hbm4b:s0+s2], $0x40, $0x38;
	[tilespmem:$0x10100] =	vst v63  }
0x23: {  	_ =	swait.ge [sflag:s7], $0x40  }
0x24: {  	[sflag:s7] =	ssyncset.done $0x0  }
0x25: {  	[sflag:s7] =	ssyncadd.s32 $0xFFFFFFC0  }
0x26: {  	v3 =	vld [tilespmem:$0x10000];
	_ =	sdelay $0x4  }
0x27: {  	v4 =	vshll.u32 v3, $0x2  }
0x28: {  	v3 =	vand.u32 $0x7, v3;
	v4 =	vand.u32 $0xFFFFFFE0, v4  }
0x29: {  	v3 =	vor.u32 v3, v4  }
0x2a: {  	v4 =	vperm.xlane v3, v0;
	_ =	sdelay $0x1  }
0x2b: {  	v4 =	vadd.s32 v1, v4;
	_ =	sdelay $0x1  }
0x2c: {  	v3 =	vperm.xlane v3, v2;
	_ =	sdelay $0x1  }
0x2d: {  	v3 =	vadd.s32 v1, v3  }
0x2e: {  	[tilespmem:s2], [sflag:$0x1] =	stream.indirect_vreg.gather [hbm4b:s4+s2], $0x80, v4, vm0, $0xb8;
	[tilespmem:$0x10100] =	vst v63  }
0x2f: {  	s0 =	rddreg [dreg:$0x8]  }
0x30: {  	[tilespmem:s0], [sflag:$0x1] =	stream.indirect_vreg.gather [hbm4b:s5+s2], $0x80, v4, vm0, $0xb8;
	[tilespmem:$0x10100] =	vst v63  }
0x31: {  	s8 =	rddreg [dreg:$0x9]  }
0x32: {  	[tilespmem:s8], [sflag:$0x1] =	stream.indirect_vreg.gather [hbm4b:s4+s2], $0x80, v3, vm0, $0xb8;
	[tilespmem:$0x10100] =	vst v63  }
0x33: {  	s0 =	rddreg [dreg:$0xa]  }
0x34: {  	[tilespmem:s0], [sflag:$0x1] =	stream.indirect_vreg.gather [hbm4b:s5+s2], $0x80, v3, vm0, $0xb8;
	[tilespmem:$0x10100] =	vst v63  }
0x35: {  	v3 =	vld [tilespmem:$0x10010];
	_ =	sdelay $0x4  }
0x36: {  	v57 =	vshll.u32 v3, $0x2  }
0x37: {  	v3 =	vand.u32 $0x7, v3;
	v4 =	vand.u32 $0xFFFFFFE0, v57  }
0x38: {  	v3 =	vor.u32 v3, v4  }
0x39: {  	v4 =	vperm.xlane v3, v0;
	_ =	sdelay $0x1  }
0x3a: {  	v4 =	vadd.s32 v1, v4;
	_ =	sdelay $0x1  }
0x3b: {  	v3 =	vperm.xlane v3, v2;
	_ =	sdelay $0x1  }
0x3c: {  	s0 =	rddreg [dreg:$0xb];
	v3 =	vadd.s32 v1, v3  }
0x3d: {  	[tilespmem:s0], [sflag:$0x1] =	stream.indirect_vreg.gather [hbm4b:s4+s2], $0x80, v4, vm0, $0xb8;
	[tilespmem:$0x10100] =	vst v63  }
0x3e: {  	s8 =	rddreg [dreg:$0xc]  }
0x3f: {  	[tilespmem:s8], [sflag:$0x1] =	stream.indirect_vreg.gather [hbm4b:s5+s2], $0x80, v4, vm0, $0xb8;
	[tilespmem:$0x10100] =	vst v63  }
0x40: {  	s0 =	rddreg [dreg:$0xd]  }
0x41: {  	[tilespmem:s0], [sflag:$0x1] =	stream.indirect_vreg.gather [hbm4b:s4+s2], $0x80, v3, vm0, $0xb8;
	[tilespmem:$0x10100] =	vst v63  }
0x42: {  	s8 =	rddreg [dreg:$0xe]  }
0x43: {  	[tilespmem:s8], [sflag:$0x1] =	stream.indirect_vreg.gather [hbm4b:s5+s2], $0x80, v3, vm0, $0xb8;
	[tilespmem:$0x10100] =	vst v63  }
0x44: {  	v3 =	vld [tilespmem:$0x10020];
	_ =	sdelay $0x4  }
0x45: {  	v58 =	vshll.u32 v3, $0x2  }
0x46: {  	v3 =	vand.u32 $0x7, v3;
	v4 =	vand.u32 $0xFFFFFFE0, v58  }
0x47: {  	v3 =	vor.u32 v3, v4  }
0x48: {  	v4 =	vperm.xlane v3, v0;
	_ =	sdelay $0x1  }
0x49: {  	v4 =	vadd.s32 v1, v4;
	_ =	sdelay $0x1  }
0x4a: {  	v3 =	vperm.xlane v3, v2;
	_ =	sdelay $0x1  }
0x4b: {  	s0 =	rddreg [dreg:$0xf];
	v3 =	vadd.s32 v1, v3  }
0x4c: {  	[tilespmem:s0], [sflag:$0x1] =	stream.indirect_vreg.gather [hbm4b:s4+s2], $0x80, v4, vm0, $0xb8;
	[tilespmem:$0x10100] =	vst v63  }
0x4d: {  	s8 =	rddreg [dreg:$0x10]  }
0x4e: {  	[tilespmem:s8], [sflag:$0x1] =	stream.indirect_vreg.gather [hbm4b:s5+s2], $0x80, v4, vm0, $0xb8;
	[tilespmem:$0x10100] =	vst v63  }
0x4f: {  	s8 =	simm.s32 $0x5000  }
0x50: {  	[tilespmem:s8], [sflag:$0x1] =	stream.indirect_vreg.gather [hbm4b:s4+s2], $0x80, v3, vm0, $0xb8;
	[tilespmem:$0x10100] =	vst v63  }
0x51: {  	_ = 	snop  }
0x52: {  	[tilespmem:s9], [sflag:$0x1] =	stream.indirect_vreg.gather [hbm4b:s5+s2], $0x80, v3, vm0, $0xb8;
	[tilespmem:$0x10100] =	vst v63  }
0x53: {  	v3 =	vld [tilespmem:$0x10030];
	_ =	sdelay $0x4  }
0x54: {  	v59 =	vshll.u32 v3, $0x2  }
0x55: {  	v3 =	vand.u32 $0x7, v3;
	v4 =	vand.u32 $0xFFFFFFE0, v59  }
0x56: {  	v3 =	vor.u32 v3, v4  }
0x57: {  	v4 =	vperm.xlane v3, v0;
	_ =	sdelay $0x1  }
0x58: {  	v4 =	vadd.s32 v1, v4;
	_ =	sdelay $0x1  }
0x59: {  	v3 =	vperm.xlane v3, v2;
	_ =	sdelay $0x1  }
0x5a: {  	v3 =	vadd.s32 v1, v3  }
0x5b: {  	[tilespmem:s10], [sflag:$0x1] =	stream.indirect_vreg.gather [hbm4b:s4+s2], $0x80, v4, vm0, $0xb8;
	[tilespmem:$0x10100] =	vst v63  }
0x5c: {  	_ = 	snop  }
0x5d: {  	[tilespmem:s11], [sflag:$0x1] =	stream.indirect_vreg.gather [hbm4b:s5+s2], $0x80, v4, vm0, $0xb8;
	[tilespmem:$0x10100] =	vst v63  }
0x5e: {  	_ = 	snop  }
0x5f: {  	[tilespmem:s12], [sflag:$0x1] =	stream.indirect_vreg.gather [hbm4b:s4+s2], $0x80, v3, vm0, $0xb8;
	[tilespmem:$0x10100] =	vst v63  }
0x60: {  	_ = 	snop  }
0x61: {  	[tilespmem:s13], [sflag:$0x1] =	stream.indirect_vreg.gather [hbm4b:s5+s2], $0x80, v3, vm0, $0xb8;
	[tilespmem:$0x10100] =	vst v63  }
0x62: {  	v3 =	vld [tilespmem:$0x10080];
	_ =	sdelay $0x4  }
0x63: {  	v60 =	vshll.u32 v3, $0x2  }
0x64: {  	v3 =	vand.u32 $0x7, v3;
	v4 =	vand.u32 $0xFFFFFFE0, v60  }
0x65: {  	v3 =	vor.u32 v3, v4  }
0x66: {  	v4 =	vperm.xlane v3, v0;
	_ =	sdelay $0x1  }
0x67: {  	v4 =	vadd.s32 v1, v4;
	_ =	sdelay $0x1  }
0x68: {  	v3 =	vperm.xlane v3, v2;
	_ =	sdelay $0x1  }
0x69: {  	v3 =	vadd.s32 v1, v3  }
0x6a: {  	[tilespmem:s14], [sflag:$0x1] =	stream.indirect_vreg.gather [hbm4b:s4+s2], $0x80, v4, vm0, $0xb8;
	[tilespmem:$0x10100] =	vst v63  }
0x6b: {  	_ = 	snop  }
0x6c: {  	[tilespmem:s15], [sflag:$0x1] =	stream.indirect_vreg.gather [hbm4b:s5+s2], $0x80, v4, vm0, $0xb8;
	[tilespmem:$0x10100] =	vst v63  }
0x6d: {  	_ = 	snop  }
0x6e: {  	[tilespmem:s16], [sflag:$0x1] =	stream.indirect_vreg.gather [hbm4b:s4+s2], $0x80, v3, vm0, $0xb8;
	[tilespmem:$0x10100] =	vst v63  }
0x6f: {  	_ = 	snop  }
0x70: {  	[tilespmem:s17], [sflag:$0x1] =	stream.indirect_vreg.gather [hbm4b:s5+s2], $0x80, v3, vm0, $0xb8;
	[tilespmem:$0x10100] =	vst v63  }
0x71: {  	v3 =	vld [tilespmem:$0x10090];
	_ =	sdelay $0x4  }
0x72: {  	v61 =	vshll.u32 v3, $0x2  }
0x73: {  	v3 =	vand.u32 $0x7, v3;
	v4 =	vand.u32 $0xFFFFFFE0, v61  }
0x74: {  	v3 =	vor.u32 v3, v4  }
0x75: {  	v4 =	vperm.xlane v3, v0;
	_ =	sdelay $0x1  }
0x76: {  	v4 =	vadd.s32 v1, v4;
	_ =	sdelay $0x1  }
0x77: {  	v3 =	vperm.xlane v3, v2;
	_ =	sdelay $0x1  }
0x78: {  	v3 =	vadd.s32 v1, v3  }
0x79: {  	[tilespmem:s18], [sflag:$0x1] =	stream.indirect_vreg.gather [hbm4b:s4+s2], $0x80, v4, vm0, $0xb8;
	[tilespmem:$0x10100] =	vst v63  }
0x7a: {  	_ = 	snop  }
0x7b: {  	[tilespmem:s19], [sflag:$0x1] =	stream.indirect_vreg.gather [hbm4b:s5+s2], $0x80, v4, vm0, $0xb8;
	[tilespmem:$0x10100] =	vst v63  }
0x7c: {  	_ = 	snop  }
0x7d: {  	[tilespmem:s20], [sflag:$0x1] =	stream.indirect_vreg.gather [hbm4b:s4+s2], $0x80, v3, vm0, $0xb8;
	[tilespmem:$0x10100] =	vst v63  }
0x7e: {  	_ = 	snop  }
0x7f: {  	[tilespmem:s21], [sflag:$0x1] =	stream.indirect_vreg.gather [hbm4b:s5+s2], $0x80, v3, vm0, $0xb8;
	[tilespmem:$0x10100] =	vst v63  }
0x80: {  	v3 =	vld [tilespmem:$0x100A0];
	_ =	sdelay $0x4  }
0x81: {  	v62 =	vshll.u32 v3, $0x2  }
0x82: {  	v3 =	vand.u32 $0x7, v3;
	v4 =	vand.u32 $0xFFFFFFE0, v62  }
0x83: {  	v3 =	vor.u32 v3, v4  }
0x84: {  	v4 =	vperm.xlane v3, v0;
	_ =	sdelay $0x1  }
0x85: {  	v4 =	vadd.s32 v1, v4;
	_ =	sdelay $0x1  }
0x86: {  	v3 =	vperm.xlane v3, v2;
	_ =	sdelay $0x1  }
0x87: {  	v3 =	vadd.s32 v1, v3  }
0x88: {  	[tilespmem:s22], [sflag:$0x1] =	stream.indirect_vreg.gather [hbm4b:s4+s2], $0x80, v4, vm0, $0xb8;
	[tilespmem:$0x10100] =	vst v63  }
0x89: {  	_ = 	snop  }
0x8a: {  	[tilespmem:s23], [sflag:$0x1] =	stream.indirect_vreg.gather [hbm4b:s5+s2], $0x80, v4, vm0, $0xb8;
	[tilespmem:$0x10100] =	vst v63  }
0x8b: {  	_ = 	snop  }
0x8c: {  	[tilespmem:s24], [sflag:$0x1] =	stream.indirect_vreg.gather [hbm4b:s4+s2], $0x80, v3, vm0, $0xb8;
	[tilespmem:$0x10100] =	vst v63  }
0x8d: {  	_ = 	snop  }
0x8e: {  	[tilespmem:s25], [sflag:$0x1] =	stream.indirect_vreg.gather [hbm4b:s5+s2], $0x80, v3, vm0, $0xb8;
	[tilespmem:$0x10100] =	vst v63  }
0x8f: {  	v3 =	vld [tilespmem:$0x100B0];
	_ =	sdelay $0x4  }
0x90: {  	v63 =	vshll.u32 v3, $0x2  }
0x91: {  	v3 =	vand.u32 $0x7, v3;
	v4 =	vand.u32 $0xFFFFFFE0, v63  }
0x92: {  	v3 =	vor.u32 v3, v4  }
0x93: {  	v4 =	vperm.xlane v3, v0;
	_ =	sdelay $0x1  }
0x94: {  	v4 =	vadd.s32 v1, v4;
	_ =	sdelay $0x1  }
0x95: {  	v3 =	vperm.xlane v3, v2;
	_ =	sdelay $0x1  }
0x96: {  	v3 =	vadd.s32 v1, v3  }
0x97: {  	[tilespmem:s26], [sflag:$0x1] =	stream.indirect_vreg.gather [hbm4b:s4+s2], $0x80, v4, vm0, $0xb8;
	[tilespmem:$0x10100] =	vst v63  }
0x98: {  	_ = 	snop  }
0x99: {  	[tilespmem:s28], [sflag:$0x1] =	stream.indirect_vreg.gather [hbm4b:s5+s2], $0x80, v4, vm0, $0xb8;
	[tilespmem:$0x10100] =	vst v63  }
0x9a: {  	_ = 	snop  }
0x9b: {  	[tilespmem:s29], [sflag:$0x1] =	stream.indirect_vreg.gather [hbm4b:s4+s2], $0x80, v3, vm0, $0xb8;
	[tilespmem:$0x10100] =	vst v63  }
0x9c: {  	_ = 	snop  }
0x9d: {  	[tilespmem:s30], [sflag:$0x1] =	stream.indirect_vreg.gather [hbm4b:s5+s2], $0x80, v3, vm0, $0xb8;
	[tilespmem:$0x10100] =	vst v63  }
0x9e: {  	_ =	swait.ge [sflag:s31], $0x8000  }
0x9f: {  	[sflag:s31] =	ssyncset.done $0x0  }
0xa0: {  	[sflag:s31] =	ssyncadd.s32 $0xFFFF8000  }
0xa1: {  	[hbm4b:s3+s2] =	stream.linear.scatter [tilespmem:s2], [sflag:$0x2], $0x8000, $0x38;
	[tilespmem:$0x10100] =	vst v63  }
0xa2: {  	_ =	swait.ge [sflag:s31], $0x8000  }
0xa3: {  	[sflag:s31] =	ssyncset.done $0x0  }
0xa4: {  	s8 =	rddreg [dreg:$0x5];
	[sflag:s31] =	ssyncadd.s32 $0xFFFF8000  }
0xa5: {  	[hbm4b:s8+s2] =	stream.linear.scatter [tilespmem:s14], [sflag:$0x2], $0x8000, $0x38;
	[tilespmem:$0x10100] =	vst v63  }
0xa6: {  	p0 =	sne.s32 s6, $0x1;
	_ =	swait.ge [sflag:s1], $0x8000  }
.Ltmp0:
0xa7: {  	[sflag:s1] =	ssyncset.done $0x0;
	(pc) =	sbr.rel @p0 .LBB2_1-.Ltmp0, $4  }
0xa8: {  	[sflag:s1] =	ssyncadd.s32 $0xFFFF8000  }
0xa9: {  	_ =	swait.ge [sflag:s1], $0x8000  }
0xaa: {  	[sflag:s1] =	ssyncset.done $0x0  }
0xab: {  	s6 =	sadd.s32 $0xFFFFFFFF, s6;
	[sflag:s1] =	ssyncadd.s32 $0xFFFF8000  }
0xac: {  	_ =	sfence.sel $0x180000  }
0xad: {  	[bflag:$0x0] =	sbarrier.arrive $0xFFFF  }
0xae: {  	_ =	strace $0x9000004A  }
0xaf: {  	s0 =	stileid.u32;
	[bflag:$0x2] =	sbarrier.arrive $0xFFFF  }
0xb0: {  	p0 =	sne.s32 s0, $0x0;
	s0 =	rddreg [dreg:$0x2]  }
0xb1: {  	s0 =	sadd.s32 @!p0 $0x100000, s0  }
0xb2: {  	[sflag:s0] =	ssyncadd.tile.s32 @!p0 $0x1;
	_ =	shalt  }
.Lfunc_end2:
_tile_overlayer_lowered:
.L_overlay_start_2:
0xb3: {  	(tag) =	ssettag $0x2  }
0xb4: {  	s0 =	rddreg [dreg:$0x0];
	s2 =	stileid.u32  }
0xb5: {  	s1 =	rddreg [dreg:$0x1];
	p0 =	sne.s32 s2, $0x0  }
0xb6: {  	s3 =	rddreg [dreg:$0x2];
	[bflag:$0x3] =	sbarrier.arrive $0xFFFF;
	s2 =	simm.s32 @!p0 $0x1C03  }
0xb7: {  	[timem:s3], [sflag:s2] =	dma.local @!p0 [hbm:s0], s1  }
0xb8: {  	s0 =	simm.s32 @!p0 $0x3  }
0xb9: {  	_ =	swait.ge @!p0 [sflag:s0], s1  }
0xba: {  	s1 =	ssub.s32 @!p0 $0x0, s1;
	[sflag:s0] =	ssyncset.done @!p0 $0x0  }
0xbb: {  	[sflag:s0] =	ssyncadd.s32 @!p0 s1  }
0xbc: {  	[bflag:$0x3] =	sbarrier.arrive $0xFFFF  }
0xbd: {  	_ =	shalt  }

// kernel: kernel.7.cloned.1.call-start
scs
__scs_entry_jumppad:
0x0: {  	(pc) =	sbr.rel $0x88, $3  }
0x1: {  	(tag) =	ssettag $0x0;
	lr =	simm.s32 $0x1  }
0x2: {  	[smem:$0x3F9B] =	sst lr;
	_ =	strace $0xD0000000  }
0x3: {  	_ = 	snop  }
0x4: {  	_ = 	snop  }
0x5: {  	_ = 	snop  }
0x6: {  	_ = 	snop  }
0x7: {  	_ = 	snop  }
__scs_overlays_trampoline_lowered:
0x8: {  	[smem:$0x3FAA] =	sst s0  }
0x9: {  	[smem:$0x3FAB] =	sst s1  }
0xa: {  	[smem:$0x3FAC] =	sst s2  }
0xb: {  	[smem:$0x3FAD] =	sst s3  }
0xc: {  	[smem:$0x3FAE] =	sst s4  }
0xd: {  	[smem:$0x3FAF] =	sst s5  }
0xe: {  	[smem:$0x3FB0] =	sst s6  }
0xf: {  	[smem:$0x3FB1] =	sst s7  }
0x10: {  	[smem:$0x3FB2] =	sst s8  }
0x11: {  	[smem:$0x3FB3] =	sst s9;
	s0 =	simm.s32 @!p0 $0x0  }
0x12: {  	s1 =	sld [smem:$0x3F99];
	s0 =	simm.s32 @p0 $0x1  }
0x13: {  	[smem:$0x3FB4] =	sst s0;
	s0 =	simm.s32 @!p1 $0x0  }
0x14: {  	s2 =	sld [smem:$0x3F98];
	s0 =	simm.s32 @p1 $0x1  }
0x15: {  	[smem:$0x3FB5] =	sst s0;
	s0 =	simm.s32 @!p2 $0x0  }
0x16: {  	s3 =	sld [smem:$0x3FDB];
	s0 =	simm.s32 @p2 $0x1  }
0x17: {  	s4 =	simm.s32 $0x1BF5;
	[smem:$0x3FB7] =	sst s0  }
0x18: {  	s0 =	sld [smem:$0x3F9A];
	_ =	swait.ge [sflag:s4], $0x0  }
0x19: {  	s7 =	sld [smem:$0x3F9B]  }
0x1a: {  	s8 =	sadd.s32 $0xFFFFE003, lr  }
0x1b: {  	s9 =	sadd.s32 $0xFFFFFEF7, lr;
	s5 =	simm.s32 $0xFFFFFFFF;
	p2 =	slt.u32 s8, $0xFFFFF086  }
0x1c: {  	p1 =	slt.u32 s9, $0xF7A;
	s5 =	simm.s32 @!p2 $0x0  }
0x1d: {  	s5 =	simm.s32 @p1 $0x1;
	p0 =	seq.s32 s7, s2  }
0x1e: {  	s7 =	smul.u32 @!p0 $0xF7A, s2;
	p2 =	seq.s32 @!p0 s5, $0x0  }
0x1f: {  	s9 =	smul.u32 $0xF7A, s1;
	s8 =	simm.s32 @!p0 $0x1BF5;
	p2 =	por !p2, p0  }
0x20: {  	[sflag:s8] =	ssyncset.s32 @!p0 $0xFFFFF086;
	s6 =	sadd.s32 @!p0 s3, s7;
	s7 =	simm.s32 @!p0 $0x108  }
0x21: {  	s3 =	sadd.s32 s3, s9;
	s6 =	sadd.s32 @!p0 $0x88, s6;
	s7 =	simm.s32 @p2 $0x1082  }
0x22: {  	[simem:s7], [sflag:s8] =	dma.local @!p0 [hbm:s6], $0xF7A  }
0x23: {  	s9 =	sor.u32 $0xD0000000, s2;
	s6 =	simm.s32 $0x108;
	_ =	swait.ge @!p0 [sflag:s8], $0x0  }
0x24: {  	s3 =	sadd.s32 $0x88, s3;
	s6 =	simm.s32 @!p1 $0x1082;
	[sflag:s4] =	ssyncset.s32 $0xFFFFF086  }
0x25: {  	[simem:s6], [sflag:s4] =	dma.local [hbm:s3], $0xF7A  }
0x26: {  	[smem:$0x3F9B] =	sst s1;
	(tag) =	ssettag s2;
	_ =	strace s9  }
0x27: {  	s1 =	sld [smem:$0x3FAB]  }
0x28: {  	s2 =	sld [smem:$0x3FAC]  }
0x29: {  	s4 =	sld [smem:$0x3FAE]  }
0x2a: {  	p0 =	seq.s32 s5, $0x0;
	s5 =	sld [smem:$0x3FAF]  }
0x2b: {  	s6 =	sld [smem:$0x3FB0]  }
0x2c: {  	s7 =	sld [smem:$0x3FB1]  }
0x2d: {  	s3 =	simm.s32 $0x108;
	s8 =	sld [smem:$0x3FB2]  }
0x2e: {  	s3 =	simm.s32 @!p0 $0x1082;
	s9 =	sld [smem:$0x3FB3]  }
0x2f: {  	lr =	sadd.s32 s0, s3;
	s0 =	sld [smem:$0x3FAA]  }
0x30: {  	s3 =	sld [smem:$0x3FAD]  }
0x31: {  	[smem:$0x3FB6] =	sst s10  }
0x32: {  	s10 =	sld [smem:$0x3FB4];
	_ =	sdelay $0x3  }
0x33: {  	p0 =	seq.s32 s10, $0x1;
	s10 =	sld [smem:$0x3FB6];
	_ =	sdelay $0x3  }
0x34: {  	[smem:$0x3FB6] =	sst s10  }
0x35: {  	s10 =	sld [smem:$0x3FB5];
	_ =	sdelay $0x3  }
0x36: {  	p1 =	seq.s32 s10, $0x1;
	s10 =	sld [smem:$0x3FB6];
	_ =	sdelay $0x3  }
0x37: {  	[smem:$0x3FB6] =	sst s10  }
0x38: {  	s10 =	sld [smem:$0x3FB7]  }
0x39: {  	_ = 	snop;
	(pc) =	sbr.ind lr, $3  }
0x3a: {  	_ = 	snop  }
0x3b: {  	_ = 	snop  }
0x3c: {  	p2 =	seq.s32 s10, $0x1;
	s10 =	sld [smem:$0x3FB6]  }
0x3d: {  	_ =	shalt  }
0x3e: {  	_ =	shalt  }
0x3f: {  	_ =	shalt  }
0x40: {  	_ =	shalt  }
0x41: {  	_ =	shalt  }
0x42: {  	_ =	shalt  }
0x43: {  	_ =	shalt  }
0x44: {  	_ =	shalt  }
0x45: {  	_ =	shalt  }
0x46: {  	_ =	shalt  }
0x47: {  	_ =	shalt  }
0x48: {  	_ =	shalt  }
0x49: {  	_ =	shalt  }
0x4a: {  	_ =	shalt  }
0x4b: {  	_ =	shalt  }
0x4c: {  	_ =	shalt  }
0x4d: {  	_ =	shalt  }
0x4e: {  	_ =	shalt  }
0x4f: {  	_ =	shalt  }
0x50: {  	_ =	shalt  }
0x51: {  	_ =	shalt  }
0x52: {  	_ =	shalt  }
0x53: {  	_ =	shalt  }
0x54: {  	_ =	shalt  }
0x55: {  	_ =	shalt  }
0x56: {  	_ =	shalt  }
0x57: {  	_ =	shalt  }
0x58: {  	_ =	shalt  }
0x59: {  	_ =	shalt  }
0x5a: {  	_ =	shalt  }
0x5b: {  	_ =	shalt  }
0x5c: {  	_ =	shalt  }
0x5d: {  	_ =	shalt  }
0x5e: {  	_ =	shalt  }
0x5f: {  	_ =	shalt  }
0x60: {  	_ =	shalt  }
0x61: {  	_ =	shalt  }
0x62: {  	_ =	shalt  }
0x63: {  	_ =	shalt  }
0x64: {  	_ =	shalt  }
0x65: {  	_ =	shalt  }
0x66: {  	_ =	shalt  }
0x67: {  	_ =	shalt  }
0x68: {  	_ =	shalt  }
0x69: {  	_ =	shalt  }
0x6a: {  	_ =	shalt  }
0x6b: {  	_ =	shalt  }
0x6c: {  	_ =	shalt  }
0x6d: {  	_ =	shalt  }
0x6e: {  	_ =	shalt  }
0x6f: {  	_ =	shalt  }
0x70: {  	_ =	shalt  }
0x71: {  	_ =	shalt  }
0x72: {  	_ =	shalt  }
0x73: {  	_ =	shalt  }
0x74: {  	_ =	shalt  }
0x75: {  	_ =	shalt  }
0x76: {  	_ =	shalt  }
0x77: {  	_ =	shalt  }
0x78: {  	_ =	shalt  }
0x79: {  	_ =	shalt  }
0x7a: {  	_ =	shalt  }
0x7b: {  	_ =	shalt  }
0x7c: {  	_ =	shalt  }
0x7d: {  	_ =	shalt  }
0x7e: {  	_ =	shalt  }
0x7f: {  	_ =	shalt  }
0x80: {  	_ =	shalt  }
0x81: {  	_ =	shalt  }
0x82: {  	_ =	shalt  }
0x83: {  	_ =	shalt  }
0x84: {  	_ =	shalt  }
0x85: {  	_ =	shalt  }
0x86: {  	_ =	shalt  }
0x87: {  	_ =	shalt  }
.Lfunc_end0:
.L_simem_size_0:
called_computation_lowered:
.L_overlay_start_0:
0x88: {  	s2 =	sld [smem:$0x3FD9]  }
0x89: {  	s3 =	sld [smem:$0x3FFE];
	_ =	sdelay $0x1  }
0x8a: {  	s1 =	srdreg.scid  }
0x8b: {  	s0 =	sand.u32 $0x1, s1  }
0x8c: {  	s17 =	sshll.u32 s0, $0xA;
	s2 =	sadd.s32 s3, s2  }
0x8d: {  	s2 =	sadd.s32 s2, s17  }
0x8e: {  	[smem:$0x3FC2] =	sst s2  }
0x8f: {  	_ = 	snop  }
0x90: {  	s2 =	sld [smem:$0x3FD0];
	(tm) =	ssettm $0x1  }
0x91: {  	s18 =	sld [smem:$0x3FFB];
	_ =	sdelay $0x3  }
0x92: {  	_ =	strace s18  }
0x93: {  	s3 =	sld [smem:$0x3FFC];
	_ =	sdelay $0x3  }
0x94: {  	_ =	strace s3  }
0x95: {  	s3 =	sld [smem:$0x3FFD];
	_ =	sdelay $0x3  }
0x96: {  	_ =	strace s3  }
0x97: {  	_ =	strace $0x8FFFFFFF  }
0x98: {  	s19 =	sld [smem:$0x3FDB];
	_ =	sdelay $0x1  }
0x99: {  	s4 =	simm.s32 $_scs_section_size  }
0x9a: {  	s5 =	simm.s32 $_size__tile_overlayer_lowered;
	s6 =	simm.s32 $_tile_overlayer_lowered  }
0x9b: {  	s22 =	simm.s32 $0x1BFF;
	s21 =	sshll.u32 s6, $0x1;
	s3 =	sadd.s32 s4, s19  }
0x9c: {  	s7 =	simm.s32 $0x0;
	s20 =	sshll.u32 s5, $0x1;
	s5 =	sadd.s32 s21, s3  }
0x9d: {  	[timem:s7], [sflag:s22] =	dma.local [hbm:s5], s20  }
0x9e: {  	_ =	swait.ge [sflag:s22], s20  }
0x9f: {  	s4 =	ssub.s32 $0x0, s20;
	[sflag:s22] =	ssyncset.done $0x0  }
0xa0: {  	[sflag:s22] =	ssyncadd.s32 s4;
	_ =	sdelay $0x1  }
0xa1: {  	s23 =	simm.s32 $0x1B8B  }
0xa2: {  	_ =	swait.ge [sflag:s23], $0x1  }
0xa3: {  	[sflag:s23] =	ssyncset.done $0x0  }
0xa4: {  	s25 =	simm.s32 $0x1B8E;
	s24 =	sld [smem:$0x3FFE];
	[sflag:s23] =	ssyncadd.s32 $0xFFFFFFFF  }
0xa5: {  	s26 =	simm.s32 $execute0_lowered;
	[smem:$0x3FD2] =	sst s25  }
0xa6: {  	s5 =	sshll.u32 s26, $0x1;
	_ =	strace $0x80000046;
	[dreg:$0x1] =	wrdreg $0xFFFFFFFF  }
0xa7: {  	s28 =	simm.s32 $_size_execute0_lowered;
	s3 =	sadd.s32 s3, s5;
	[dreg:$0x0] =	wrdreg $0x0  }
0xa8: {  	s5 =	sshll.u32 s28, $0x1;
	[dreg:$0x2] =	wrdreg s3  }
0xa9: {  	[dreg:$0x3] =	wrdreg s5  }
0xaa: {  	[dreg:$0x4] =	wrdreg $0xC0  }
0xab: {  	_ =	task [dreg:s7], $0x5FFFF  }
0xac: {  	[dreg:$0x1] =	wrdreg $0xFFFFFFFF  }
0xad: {  	[dreg:$0x0] =	wrdreg $0x60  }
0xae: {  	[dreg:$0x2] =	wrdreg s2  }
0xaf: {  	[dreg:$0x3] =	wrdreg s24  }
0xb0: {  	[dreg:$0x4] =	wrdreg $0x9  }
0xb1: {  	_ =	task.clear_ibuf [dreg:s7], $0x5FFFF;
	_ =	strace $0x90000046  }
0xb2: {  	s29 =	simm.s32 $0x9;
	_ =	strace $0x80000048  }
0xb3: {  	_ =	swait.ge [sflag:s29], $0x1  }
0xb4: {  	[sflag:s29] =	ssyncadd.s32 $0xFFFFFFFF  }
0xb5: {  	_ =	strace $0x90000048  }
0xb6: {  	_ =	sfence  }
0xb7: {  	s30 =	sld [smem:$0x0];
	_ =	sdelay $0x2  }
0xb8: {  	s31 =	sshll.u32 s1, $0xD;
	s1 =	sshrl.u32 s1, $0x2  }
0xb9: {  	s3 =	sand.u32 $0x4000, s31;
	s1 =	sadd.s32 s1, s30  }
0xba: {  	s0 =	sor.u32 s3, s0;
	s1 =	sshll.u32 s1, $0x11  }
0xbb: {  	s0 =	sor.u32 s1, s0  }
0xbc: {  	s0 =	sadd.s32 $0x8F2B, s0  }
0xbd: {  	[sflag:s0] =	ssyncadd.remote.s32 $0x1  }
0xbe: {  	_ =	sfence.sel $0xFFFF  }
0xbf: {  	[dreg:$0x0] =	wrdreg $0xFFFFFFFF;
	(pc) =	sbr.abs _section_cstart, $3  }
0xc0: {  	[dreg:$0x1] =	wrdreg $0xFFFFFFFF  }
0xc1: {  	_ =	task.clear_ibuf [dreg:s7], $0x2FFFF;
	_ =	strace $0x9FFFFFFF  }
0xc2: {  	(tm) =	ssettm $0x7FFFFFFF  }
0xc3: {  	_ =	shalt  }
tec
execute0_lowered:
.L_overlay_start_1:
0x0: {  	(tag) =	ssettag $0x1  }
0x1: {  	s4 =	rddreg [dreg:$0x0]  }
0x2: {  	s7 =	rddreg [dreg:$0x1]  }
0x3: {  	s0 =	rddreg [dreg:$0x2];
	s2 =	simm.s32 $0x0;
	s3 =	srdreg.scid  }
0x4: {  	s1 =	stileid.u32;
	s12 =	simm.s32 $0x1;
	s13 =	simm.s32 $0x800  }
0x5: {  	s14 =	simm.s32 $0x1000;
	s15 =	simm.s32 $0x1800;
	s16 =	simm.s32 $0x2000  }
0x6: {  	s17 =	simm.s32 $0x2800;
	s18 =	simm.s32 $0x3000;
	s19 =	simm.s32 $0x3800  }
0x7: {  	s20 =	simm.s32 $0x4000;
	s21 =	simm.s32 $0x4800;
	s22 =	simm.s32 $0x5000  }
0x8: {  	s23 =	simm.s32 $0x5800;
	s24 =	simm.s32 $0x6000;
	s28 =	simm.s32 $0x7800  }
0x9: {  	s29 =	simm.s32 $0x2;
	[smem:$0x7FF] =	sst s2;
	s3 =	sand.u32 $0x1, s3  }
0xa: {  	s5 =	sshll.u32 s1, $0x7;
	s8 =	sadd.s32 $0x9A00, s7;
	_ =	strace $0x80000047  }
0xb: {  	s6 =	sshll.u32 s3, $0x6;
	s9 =	ssub.s32 $0x2, s3;
	s3 =	sadd.s32 $0x9C00, s7  }
0xc: {  	s7 =	sadd.s32 $0x9D00, s7;
	s5 =	sor.u32 s6, s5;
	s10 =	sshrl.u32 s9, $0x1  }
0xd: {  	s11 =	sshll.u32 s5, $0x1;
	s9 =	ssub.s32 s9, s10;
	s5 =	sshll.u32 s5, $0x6  }
0xe: {  	s10 =	simm.s32 $0x3;
	s25 =	sand.u32 $0xF00, s11;
	s11 =	sor.u32 s6, s11  }
0xf: {  	s4 =	sadd.s32 s4, s5;
	s6 =	sor.u32 s6, s25;
	s26 =	sshrl.u32 s11, $0x3  }
0x10: {  	v2 =	vlaneseq.u32;
	s11 =	simm.s32 $0x8080;
	s25 =	simm.s32 $0x6800;
	s30 =	sshrl.u32 s6, $0x3  }
0x11: {  	vm0 =	vmmov $0xffff;
	v1 =	vshrl.u32 v2, $0x3;
	s31 =	sor.u32 $0x10, s26;
	s26 =	simm.s32 $0x7000;
	s5 =	sadd.s32 s8, s30  }
0x12: {  	v0 =	vand.u32 $0x7, v2;
	v2 =	vor.u32 $0x8, v2;
	v1 =	vmul.u32 $0x8, v1;
	s6 =	sadd.s32 s8, s31;
	s8 =	smax.u32 s9, $0x1;
	s9 =	simm.s32 $0x8000  }
.LBB2_1:
0x13: {  	[tilespmem:s2], [sflag:$0x1] =	stream.linear.gather [hbm4b:s4+s2], $0x8000, $0x38;
	[tilespmem:$0x8100] =	vst v63  }
0x14: {  	_ = 	snop  }
0x15: {  	[tilespmem:s9], [sflag:$0x3] =	stream.linear.gather [hbm4b:s5+s2], $0x40, $0x38;
	[tilespmem:$0x8100] =	vst v63  }
0x16: {  	_ =	swait.ge [sflag:s10], $0x40  }
0x17: {  	[sflag:s10] =	ssyncset.done $0x0  }
0x18: {  	[sflag:s10] =	ssyncadd.s32 $0xFFFFFFC0  }
0x19: {  	[tilespmem:s11], [sflag:$0x3] =	stream.linear.gather [hbm4b:s6+s2], $0x40, $0x38;
	[tilespmem:$0x8100] =	vst v63  }
0x1a: {  	_ =	swait.ge [sflag:s10], $0x40  }
0x1b: {  	[sflag:s10] =	ssyncset.done $0x0  }
0x1c: {  	[sflag:s10] =	ssyncadd.s32 $0xFFFFFFC0  }
0x1d: {  	_ =	swait.ge [sflag:s12], $0x8000  }
0x1e: {  	[sflag:s12] =	ssyncset.done $0x0  }
0x1f: {  	[sflag:s12] =	ssyncadd.s32 $0xFFFF8000  }
0x20: {  	v3 =	vld [tilespmem:$0x8000];
	_ =	sdelay $0x4  }
0x21: {  	v4 =	vshll.u32 v3, $0x2  }
0x22: {  	v3 =	vand.u32 $0x7, v3;
	v4 =	vand.u32 $0xFFFFFFE0, v4  }
0x23: {  	v3 =	vor.u32 v3, v4  }
0x24: {  	v4 =	vperm.xlane v3, v0;
	_ =	sdelay $0x1  }
0x25: {  	v4 =	vadd.s32 v1, v4;
	_ =	sdelay $0x1  }
0x26: {  	v3 =	vperm.xlane v3, v2;
	_ =	sdelay $0x1  }
0x27: {  	v3 =	vadd.s32 v1, v3  }
0x28: {  	[hbm4b:s3+s2] =	stream.indirect_vreg.scatter [tilespmem:s2], [sflag:$0x2], $0x80, v4, vm0, $0xb8;
	[tilespmem:$0x8100] =	vst v63  }
0x29: {  	_ = 	snop  }
0x2a: {  	[hbm4b:s7+s2] =	stream.indirect_vreg.scatter [tilespmem:s13], [sflag:$0x2], $0x80, v4, vm0, $0xb8;
	[tilespmem:$0x8100] =	vst v63  }
0x2b: {  	_ = 	snop  }
0x2c: {  	[hbm4b:s3+s2] =	stream.indirect_vreg.scatter [tilespmem:s14], [sflag:$0x2], $0x80, v3, vm0, $0xb8;
	[tilespmem:$0x8100] =	vst v63  }
0x2d: {  	_ = 	snop  }
0x2e: {  	[hbm4b:s7+s2] =	stream.indirect_vreg.scatter [tilespmem:s15], [sflag:$0x2], $0x80, v3, vm0, $0xb8;
	[tilespmem:$0x8100] =	vst v63  }
0x2f: {  	v3 =	vld [tilespmem:$0x8010];
	_ =	sdelay $0x4  }
0x30: {  	v57 =	vshll.u32 v3, $0x2  }
0x31: {  	v3 =	vand.u32 $0x7, v3;
	v4 =	vand.u32 $0xFFFFFFE0, v57  }
0x32: {  	v3 =	vor.u32 v3, v4  }
0x33: {  	v4 =	vperm.xlane v3, v0;
	_ =	sdelay $0x1  }
0x34: {  	v4 =	vadd.s32 v1, v4;
	_ =	sdelay $0x1  }
0x35: {  	v3 =	vperm.xlane v3, v2;
	_ =	sdelay $0x1  }
0x36: {  	v3 =	vadd.s32 v1, v3  }
0x37: {  	[hbm4b:s3+s2] =	stream.indirect_vreg.scatter [tilespmem:s16], [sflag:$0x2], $0x80, v4, vm0, $0xb8;
	[tilespmem:$0x8100] =	vst v63  }
0x38: {  	_ = 	snop  }
0x39: {  	[hbm4b:s7+s2] =	stream.indirect_vreg.scatter [tilespmem:s17], [sflag:$0x2], $0x80, v4, vm0, $0xb8;
	[tilespmem:$0x8100] =	vst v63  }
0x3a: {  	_ = 	snop  }
0x3b: {  	[hbm4b:s3+s2] =	stream.indirect_vreg.scatter [tilespmem:s18], [sflag:$0x2], $0x80, v3, vm0, $0xb8;
	[tilespmem:$0x8100] =	vst v63  }
0x3c: {  	_ = 	snop  }
0x3d: {  	[hbm4b:s7+s2] =	stream.indirect_vreg.scatter [tilespmem:s19], [sflag:$0x2], $0x80, v3, vm0, $0xb8;
	[tilespmem:$0x8100] =	vst v63  }
0x3e: {  	v3 =	vld [tilespmem:$0x8020];
	_ =	sdelay $0x4  }
0x3f: {  	v58 =	vshll.u32 v3, $0x2  }
0x40: {  	v3 =	vand.u32 $0x7, v3;
	v4 =	vand.u32 $0xFFFFFFE0, v58  }
0x41: {  	v3 =	vor.u32 v3, v4  }
0x42: {  	v4 =	vperm.xlane v3, v0;
	_ =	sdelay $0x1  }
0x43: {  	v4 =	vadd.s32 v1, v4;
	_ =	sdelay $0x1  }
0x44: {  	v3 =	vperm.xlane v3, v2;
	_ =	sdelay $0x1  }
0x45: {  	v3 =	vadd.s32 v1, v3  }
0x46: {  	[hbm4b:s3+s2] =	stream.indirect_vreg.scatter [tilespmem:s20], [sflag:$0x2], $0x80, v4, vm0, $0xb8;
	[tilespmem:$0x8100] =	vst v63  }
0x47: {  	_ = 	snop  }
0x48: {  	[hbm4b:s7+s2] =	stream.indirect_vreg.scatter [tilespmem:s21], [sflag:$0x2], $0x80, v4, vm0, $0xb8;
	[tilespmem:$0x8100] =	vst v63  }
0x49: {  	_ = 	snop  }
0x4a: {  	[hbm4b:s3+s2] =	stream.indirect_vreg.scatter [tilespmem:s22], [sflag:$0x2], $0x80, v3, vm0, $0xb8;
	[tilespmem:$0x8100] =	vst v63  }
0x4b: {  	_ = 	snop  }
0x4c: {  	[hbm4b:s7+s2] =	stream.indirect_vreg.scatter [tilespmem:s23], [sflag:$0x2], $0x80, v3, vm0, $0xb8;
	[tilespmem:$0x8100] =	vst v63  }
0x4d: {  	v3 =	vld [tilespmem:$0x8030];
	_ =	sdelay $0x4  }
0x4e: {  	v59 =	vshll.u32 v3, $0x2  }
0x4f: {  	v3 =	vand.u32 $0x7, v3;
	v4 =	vand.u32 $0xFFFFFFE0, v59  }
0x50: {  	v3 =	vor.u32 v3, v4  }
0x51: {  	v4 =	vperm.xlane v3, v0;
	_ =	sdelay $0x1  }
0x52: {  	v4 =	vadd.s32 v1, v4;
	_ =	sdelay $0x1  }
0x53: {  	v3 =	vperm.xlane v3, v2;
	_ =	sdelay $0x1  }
0x54: {  	v3 =	vadd.s32 v1, v3  }
0x55: {  	[hbm4b:s3+s2] =	stream.indirect_vreg.scatter [tilespmem:s24], [sflag:$0x2], $0x80, v4, vm0, $0xb8;
	[tilespmem:$0x8100] =	vst v63  }
0x56: {  	_ = 	snop  }
0x57: {  	[hbm4b:s7+s2] =	stream.indirect_vreg.scatter [tilespmem:s25], [sflag:$0x2], $0x80, v4, vm0, $0xb8;
	[tilespmem:$0x8100] =	vst v63  }
0x58: {  	_ = 	snop  }
0x59: {  	[hbm4b:s3+s2] =	stream.indirect_vreg.scatter [tilespmem:s26], [sflag:$0x2], $0x80, v3, vm0, $0xb8;
	[tilespmem:$0x8100] =	vst v63  }
0x5a: {  	_ = 	snop  }
0x5b: {  	[hbm4b:s7+s2] =	stream.indirect_vreg.scatter [tilespmem:s28], [sflag:$0x2], $0x80, v3, vm0, $0xb8;
	[tilespmem:$0x8100] =	vst v63  }
0x5c: {  	v3 =	vld [tilespmem:$0x8080];
	_ =	sdelay $0x4  }
0x5d: {  	v60 =	vshll.u32 v3, $0x2  }
0x5e: {  	v3 =	vand.u32 $0x7, v3;
	v4 =	vand.u32 $0xFFFFFFE0, v60  }
0x5f: {  	v3 =	vor.u32 v3, v4  }
0x60: {  	v4 =	vperm.xlane v3, v0;
	_ =	sdelay $0x1  }
0x61: {  	v4 =	vadd.s32 v1, v4;
	_ =	sdelay $0x1  }
0x62: {  	v3 =	vperm.xlane v3, v2;
	_ =	sdelay $0x1  }
0x63: {  	v3 =	vadd.s32 v1, v3  }
0x64: {  	[hbm4b:s3+s2] =	stream.indirect_vreg.scatter [tilespmem:s2], [sflag:$0x2], $0x80, v4, vm0, $0xb8;
	[tilespmem:$0x8100] =	vst v63  }
0x65: {  	_ = 	snop  }
0x66: {  	[hbm4b:s7+s2] =	stream.indirect_vreg.scatter [tilespmem:s13], [sflag:$0x2], $0x80, v4, vm0, $0xb8;
	[tilespmem:$0x8100] =	vst v63  }
0x67: {  	_ = 	snop  }
0x68: {  	[hbm4b:s3+s2] =	stream.indirect_vreg.scatter [tilespmem:s14], [sflag:$0x2], $0x80, v3, vm0, $0xb8;
	[tilespmem:$0x8100] =	vst v63  }
0x69: {  	_ = 	snop  }
0x6a: {  	[hbm4b:s7+s2] =	stream.indirect_vreg.scatter [tilespmem:s15], [sflag:$0x2], $0x80, v3, vm0, $0xb8;
	[tilespmem:$0x8100] =	vst v63  }
0x6b: {  	v3 =	vld [tilespmem:$0x8090];
	_ =	sdelay $0x4  }
0x6c: {  	v61 =	vshll.u32 v3, $0x2  }
0x6d: {  	v3 =	vand.u32 $0x7, v3;
	v4 =	vand.u32 $0xFFFFFFE0, v61  }
0x6e: {  	v3 =	vor.u32 v3, v4  }
0x6f: {  	v4 =	vperm.xlane v3, v0;
	_ =	sdelay $0x1  }
0x70: {  	v4 =	vadd.s32 v1, v4;
	_ =	sdelay $0x1  }
0x71: {  	v3 =	vperm.xlane v3, v2;
	_ =	sdelay $0x1  }
0x72: {  	v3 =	vadd.s32 v1, v3  }
0x73: {  	[hbm4b:s3+s2] =	stream.indirect_vreg.scatter [tilespmem:s16], [sflag:$0x2], $0x80, v4, vm0, $0xb8;
	[tilespmem:$0x8100] =	vst v63  }
0x74: {  	_ = 	snop  }
0x75: {  	[hbm4b:s7+s2] =	stream.indirect_vreg.scatter [tilespmem:s17], [sflag:$0x2], $0x80, v4, vm0, $0xb8;
	[tilespmem:$0x8100] =	vst v63  }
0x76: {  	_ = 	snop  }
0x77: {  	[hbm4b:s3+s2] =	stream.indirect_vreg.scatter [tilespmem:s18], [sflag:$0x2], $0x80, v3, vm0, $0xb8;
	[tilespmem:$0x8100] =	vst v63  }
0x78: {  	_ = 	snop  }
0x79: {  	[hbm4b:s7+s2] =	stream.indirect_vreg.scatter [tilespmem:s19], [sflag:$0x2], $0x80, v3, vm0, $0xb8;
	[tilespmem:$0x8100] =	vst v63  }
0x7a: {  	v3 =	vld [tilespmem:$0x80A0];
	_ =	sdelay $0x4  }
0x7b: {  	v62 =	vshll.u32 v3, $0x2  }
0x7c: {  	v3 =	vand.u32 $0x7, v3;
	v4 =	vand.u32 $0xFFFFFFE0, v62  }
0x7d: {  	v3 =	vor.u32 v3, v4  }
0x7e: {  	v4 =	vperm.xlane v3, v0;
	_ =	sdelay $0x1  }
0x7f: {  	v4 =	vadd.s32 v1, v4;
	_ =	sdelay $0x1  }
0x80: {  	v3 =	vperm.xlane v3, v2;
	_ =	sdelay $0x1  }
0x81: {  	v3 =	vadd.s32 v1, v3  }
0x82: {  	[hbm4b:s3+s2] =	stream.indirect_vreg.scatter [tilespmem:s20], [sflag:$0x2], $0x80, v4, vm0, $0xb8;
	[tilespmem:$0x8100] =	vst v63  }
0x83: {  	_ = 	snop  }
0x84: {  	[hbm4b:s7+s2] =	stream.indirect_vreg.scatter [tilespmem:s21], [sflag:$0x2], $0x80, v4, vm0, $0xb8;
	[tilespmem:$0x8100] =	vst v63  }
0x85: {  	_ = 	snop  }
0x86: {  	[hbm4b:s3+s2] =	stream.indirect_vreg.scatter [tilespmem:s22], [sflag:$0x2], $0x80, v3, vm0, $0xb8;
	[tilespmem:$0x8100] =	vst v63  }
0x87: {  	_ = 	snop  }
0x88: {  	[hbm4b:s7+s2] =	stream.indirect_vreg.scatter [tilespmem:s23], [sflag:$0x2], $0x80, v3, vm0, $0xb8;
	[tilespmem:$0x8100] =	vst v63  }
0x89: {  	v3 =	vld [tilespmem:$0x80B0];
	_ =	sdelay $0x4  }
0x8a: {  	v63 =	vshll.u32 v3, $0x2  }
0x8b: {  	v3 =	vand.u32 $0x7, v3;
	v4 =	vand.u32 $0xFFFFFFE0, v63  }
0x8c: {  	v3 =	vor.u32 v3, v4  }
0x8d: {  	v4 =	vperm.xlane v3, v0;
	_ =	sdelay $0x1  }
0x8e: {  	v4 =	vadd.s32 v1, v4;
	_ =	sdelay $0x1  }
0x8f: {  	v3 =	vperm.xlane v3, v2;
	_ =	sdelay $0x1  }
0x90: {  	v3 =	vadd.s32 v1, v3  }
0x91: {  	[hbm4b:s3+s2] =	stream.indirect_vreg.scatter [tilespmem:s24], [sflag:$0x2], $0x80, v4, vm0, $0xb8;
	[tilespmem:$0x8100] =	vst v63  }
0x92: {  	_ = 	snop  }
0x93: {  	[hbm4b:s7+s2] =	stream.indirect_vreg.scatter [tilespmem:s25], [sflag:$0x2], $0x80, v4, vm0, $0xb8;
	[tilespmem:$0x8100] =	vst v63  }
0x94: {  	_ = 	snop  }
0x95: {  	[hbm4b:s3+s2] =	stream.indirect_vreg.scatter [tilespmem:s26], [sflag:$0x2], $0x80, v3, vm0, $0xb8;
	[tilespmem:$0x8100] =	vst v63  }
0x96: {  	_ = 	snop  }
0x97: {  	[hbm4b:s7+s2] =	stream.indirect_vreg.scatter [tilespmem:s28], [sflag:$0x2], $0x80, v3, vm0, $0xb8;
	[tilespmem:$0x8100] =	vst v63  }
0x98: {  	p0 =	sne.s32 s8, $0x1;
	_ =	swait.ge [sflag:s29], $0x8000  }
.Ltmp0:
0x99: {  	[sflag:s29] =	ssyncset.done $0x0;
	(pc) =	sbr.rel @p0 .LBB2_1-.Ltmp0, $4  }
0x9a: {  	[sflag:s29] =	ssyncadd.s32 $0xFFFF8000  }
0x9b: {  	_ =	swait.ge [sflag:s29], $0x8000  }
0x9c: {  	[sflag:s29] =	ssyncset.done $0x0  }
0x9d: {  	s8 =	sadd.s32 $0xFFFFFFFF, s8;
	[sflag:s29] =	ssyncadd.s32 $0xFFFF8000  }
0x9e: {  	_ =	sfence.sel $0x180000  }
0x9f: {  	[bflag:$0x0] =	sbarrier.arrive $0xFFFF  }
0xa0: {  	p0 =	sne.s32 s1, $0x0;
	_ =	strace $0x90000047  }
0xa1: {  	s0 =	sadd.s32 @!p0 $0x100000, s0;
	[bflag:$0x2] =	sbarrier.arrive $0xFFFF  }
0xa2: {  	[sflag:s0] =	ssyncadd.tile.s32 @!p0 $0x1;
	_ =	shalt  }
.Lfunc_end2:
_tile_overlayer_lowered:
.L_overlay_start_2:
0xa3: {  	(tag) =	ssettag $0x2  }
0xa4: {  	s0 =	rddreg [dreg:$0x0];
	s2 =	stileid.u32  }
0xa5: {  	s1 =	rddreg [dreg:$0x1];
	p0 =	sne.s32 s2, $0x0  }
0xa6: {  	s3 =	rddreg [dreg:$0x2];
	[bflag:$0x3] =	sbarrier.arrive $0xFFFF;
	s2 =	simm.s32 @!p0 $0x1C03  }
0xa7: {  	[timem:s3], [sflag:s2] =	dma.local @!p0 [hbm:s0], s1  }
0xa8: {  	s0 =	simm.s32 @!p0 $0x3  }
0xa9: {  	_ =	swait.ge @!p0 [sflag:s0], s1  }
0xaa: {  	s1 =	ssub.s32 @!p0 $0x0, s1;
	[sflag:s0] =	ssyncset.done @!p0 $0x0  }
0xab: {  	[sflag:s0] =	ssyncadd.s32 @!p0 s1  }
0xac: {  	[bflag:$0x3] =	sbarrier.arrive $0xFFFF  }
0xad: {  	_ =	shalt  }

</sc_bundles>
